<compile_context>
chip_gen: v7x
topology: tpu7x:2x2x1
jax: 0.10.2.dev20260603
libtpu: 0.0.44.dev20260713+nightly
codegen_flags: <defaults>
</compile_context>

<pallas_src>
import functools
import math

import jax
import jax.numpy as jnp
from jax import lax
from jax.experimental import pallas as pl
from jax.experimental.pallas import tpu as pltpu
from jax.experimental.pallas import tpu_sc as plsc

_PAD = 0
_SMOOTHING = 0.1
_CONF = 1.0 - _SMOOTHING

_L = 128
_W = 2048
_NS = _W // _L

_SC_CORES = 2
_SC_SUBCORES = 16
_NW = _SC_CORES * _SC_SUBCORES


def _sc_gather(x, t32):
    b, _ = x.shape
    rpw = b // _NW
    mesh = plsc.VectorSubcoreMesh(core_axis_name="c", subcore_axis_name="s")

    @functools.partial(
        pl.kernel,
        mesh=mesh,
        out_type=[
            jax.ShapeDtypeStruct((b,), jnp.float32),
            jax.ShapeDtypeStruct((b,), jnp.float32),
        ],
        scratch_types=[
            pltpu.VMEM((rpw,), jnp.int32),
            pltpu.VMEM((rpw * 8, 128), jnp.float32),
            pltpu.VMEM((rpw, 128), jnp.float32),
            pltpu.VMEM((rpw,), jnp.float32),
            pltpu.VMEM((rpw,), jnp.float32),
            pltpu.SemaphoreType.DMA,
        ],
        compiler_params=pltpu.CompilerParams(needs_layout_passes=False),
    )
    def sc_kernel(x_hbm, t_hbm, g_hbm, x0_hbm, tbuf, tiles, x0chunk, gout, x0out, sem):
        wid = lax.axis_index("s") * _SC_CORES + lax.axis_index("c")
        base = wid * rpw
        pltpu.sync_copy(t_hbm.at[pl.ds(base, rpw)], tbuf)
        x0cp = pltpu.async_copy(
            x_hbm.at[pl.ds(base, rpw), pl.ds(0, 128)], x0chunk, sem
        )
        copies = []
        for h in range(rpw // 16):
            startv = (tbuf[pl.ds(h * 16, 16)] >> 7) << 7
            for jj in range(16):
                j = h * 16 + jj
                copies.append(pltpu.async_copy(
                    x_hbm.at[pl.ds(base + (j // 8) * 8, 8),
                             pl.ds(pl.multiple_of(startv[jj], 128), 128)],
                    tiles.at[pl.ds(j * 8, 8)],
                    sem,
                ))
        x0cp.wait()
        for cp in copies:
            cp.wait()
        iota = lax.iota(jnp.int32, 16)
        for h in range(rpw // 16):
            jvec = h * 16 + iota
            tvec = tbuf[pl.ds(h * 16, 16)]
            rowidx = jvec * 8 + lax.bitwise_and(base + jvec, 7)
            lanes = lax.bitwise_and(tvec, 127)
            gout[pl.ds(h * 16, 16)] = plsc.load_gather(tiles, [rowidx, lanes])
            x0out[pl.ds(h * 16, 16)] = plsc.load_gather(x0chunk, [jvec, iota * 0])
        pltpu.sync_copy(gout, g_hbm.at[pl.ds(base, rpw)])
        pltpu.sync_copy(x0out, x0_hbm.at[pl.ds(base, rpw)])

    return sc_kernel(x, t32)


def _make_tc_body(size, n_blocks, smooth, c1):
    def _tree_sum(xv):
        vals = [xv[:, s * _L:(s + 1) * _L] for s in range(_NS)]
        while len(vals) > 1:
            vals = [a + b_ for a, b_ in zip(vals[::2], vals[1::2])]
        return vals[0]

    def _body(t_ref, g_ref, x0_ref, x_ref, out_ref, acc_ref):
        c = pl.program_id(0)
        xblk = x_ref[...]

        @pl.when(c == 0)
        def _():
            acc_ref[...] = _tree_sum(xblk)

        @pl.when(jnp.logical_and(c > 0, c < n_blocks - 1))
        def _():
            acc_ref[...] += _tree_sum(xblk)

        @pl.when(c == n_blocks - 1)
        def _():
            cols = c * _W + lax.broadcasted_iota(jnp.int32, (1, _W), 1)
            acc_ref[...] += _tree_sum(jnp.where(cols < size, xblk, 0.0))

            t = t_ref[...]
            g = g_ref[...]
            s = jnp.sum(acc_ref[...], axis=1, keepdims=True)
            mask = (t != _PAD).astype(jnp.float32)
            contrib = c1 - smooth * (s - x0_ref[...] - g) - _CONF * g
            out_ref[0, 0] = jnp.sum(mask * contrib)

    return _body


def kernel(x, target):
    b, size = x.shape
    n_blocks = (size + _W - 1) // _W
    smooth = _SMOOTHING / (size - 2)
    c1 = (size - 2) * smooth * math.log(smooth) + _CONF * math.log(_CONF)
    t32 = target.astype(jnp.int32)
    g, x0 = _sc_gather(x, t32)
    out = pl.pallas_call(
        _make_tc_body(size, n_blocks, smooth, c1),
        grid=(n_blocks,),
        in_specs=[
            pl.BlockSpec((b, 1), lambda c: (0, 0)),
            pl.BlockSpec((b, 1), lambda c: (0, 0)),
            pl.BlockSpec((b, 1), lambda c: (0, 0)),
            pl.BlockSpec((b, _W), lambda c: (0, c)),
        ],
        out_specs=pl.BlockSpec((1, 1), lambda c: (0, 0), memory_space=pltpu.SMEM),
        out_shape=jax.ShapeDtypeStruct((1, 1), jnp.float32),
        scratch_shapes=[
            pltpu.VMEM((b, _L), jnp.float32),
        ],
        compiler_params=pltpu.CompilerParams(
            dimension_semantics=("arbitrary",),
        ),
    )(t32.reshape(b, 1), g.reshape(b, 1), x0.reshape(b, 1), x)
    return out[0, 0]

# --- scband reference (transcript-rebuilt; emitter-appended) ---
"""Pipeline reference for scband-label-smoothing-49048526520656 (READ-ONLY COPY).

The authoritative reference and input builder live on the scoring server;
editing this copy changes nothing except your own understanding.
"""

import jax, jax.numpy as jnp
import numpy as np

SIZE = 100000
PADDING_IDX = 0
SMOOTHING = 0.1
CONFIDENCE = 1.0 - SMOOTHING


def setup_inputs(seed: int = 0) -> dict:
    key = jax.random.key(seed)
    k_x, k_t = jax.random.split(key)
    B = 1024
    # x is expected to be log-probabilities of shape (B, vocab)
    logits = jax.random.normal(k_x, (B, SIZE), dtype=jnp.float32)
    x = jax.nn.log_softmax(logits, axis=-1)
    target = jax.random.randint(k_t, (B,), 0, SIZE, dtype=jnp.int64 if jax.config.jax_enable_x64 else jnp.int32)
    return {"x": x, "target": target}


def reference(x, target):
    B = x.shape[0]
    # true_dist filled with smoothing mass over non-target, non-padding classes
    true_dist = jnp.full(x.shape, SMOOTHING / (SIZE - 2), dtype=x.dtype)
    # scatter confidence at the target class (scatter-overwrite)
    true_dist = true_dist.at[jnp.arange(B), target].set(CONFIDENCE)
    # zero out padding class column
    true_dist = true_dist.at[:, PADDING_IDX].set(0.0)
    # zero out rows where the target itself is padding
    pad_rows = (target == PADDING_IDX)
    true_dist = jnp.where(pad_rows[:, None], 0.0, true_dist)
    # KLDivLoss(reduction='sum'): sum over target * (log(target) - input), with 0*log(0) := 0
    pointwise = jnp.where(true_dist > 0, true_dist * (jnp.log(jnp.where(true_dist > 0, true_dist, 1.0)) - x), 0.0)
    return jnp.sum(pointwise)

if __name__ == "__main__":
    import jax
    _d = setup_inputs()
    print(jax.jit(kernel)(*tuple(_d.values())))

</pallas_src>

<mosaic_0001>
#map = affine_map<(d0, d1) -> (0, 0)>
#map1 = affine_map<(d0, d1) -> (0)>
module attributes {stable_mosaic.version = 14 : i64} {
  func.func @sc_kernel(%arg0: i32, %arg1: i32, %arg2: memref<1024x100000xf32, #tpu.memory_space<hbm>>, %arg3: memref<1024xi32, #tpu.memory_space<hbm>>, %arg4: memref<1024xf32, #tpu.memory_space<hbm>>, %arg5: memref<1024xf32, #tpu.memory_space<hbm>>, %arg6: memref<32xi32, #tpu.memory_space<vmem>>, %arg7: memref<256x128xf32, #tpu.memory_space<vmem>>, %arg8: memref<32x128xf32, #tpu.memory_space<vmem>>, %arg9: memref<32xf32, #tpu.memory_space<vmem>>, %arg10: memref<32xf32, #tpu.memory_space<vmem>>, %arg11: memref<!tpu.dma_semaphore, #tpu.memory_space<semaphore_mem>>) attributes {dimension_semantics = [#tpu.dimension_semantics<core_parallel>, #tpu.dimension_semantics<subcore_parallel>], iteration_bounds = array<i64: 2, 16>, scalar_prefetch = 0 : i64, scratch_operands = 6 : i64, tpu.core_type = #tpu.core_type<sc_vector_subcore>, window_params = [{transform_indices = #map}, {transform_indices = #map1}, {transform_indices = #map1}, {transform_indices = #map1}]} {
    %mul3A = arith.constant 2 : i32
    %mul3A_0 = arith.muli %arg1, %mul3A : i32
    %add3A = arith.addi %mul3A_0, %arg0 : i32
    %mul3A_1 = arith.constant 32 : i32
    %mul3A_2 = arith.muli %add3A, %mul3A_1 : i32
    "tpu.region"() ({
      %run_scoped3A = tpu.sem_alloc : memref<!tpu.dma_semaphore, #tpu.memory_space<semaphore_mem>>
      %dma_start3A_740 = tpu.memref_slice %arg3[%mul3A_2] : memref<1024xi32, #tpu.memory_space<hbm>> -> memref<32xi32, #tpu.memory_space<hbm>>
      %dma_start3A_741 = tpu.memref_slice %arg3[%mul3A_2] : memref<1024xi32, #tpu.memory_space<hbm>> -> memref<32xi32, #tpu.memory_space<hbm>>
      tpu.enqueue_dma source(%dma_start3A_741 : memref<32xi32, #tpu.memory_space<hbm>>) target(%arg6 : memref<32xi32, #tpu.memory_space<vmem>>) target_semaphore(%run_scoped3A : memref<!tpu.dma_semaphore, #tpu.memory_space<semaphore_mem>>)
      %dma_wait3A_742 = tpu.memref_slice %arg3[%mul3A_2] : memref<1024xi32, #tpu.memory_space<hbm>> -> memref<32xi32, #tpu.memory_space<hbm>>
      %dma_wait3A_743 = tpu.memref_slice %arg3[%mul3A_2] : memref<1024xi32, #tpu.memory_space<hbm>> -> memref<32xi32, #tpu.memory_space<hbm>>
      tpu.wait_dma2 semaphore(%run_scoped3A : memref<!tpu.dma_semaphore, #tpu.memory_space<semaphore_mem>>) src(%dma_wait3A_743 : memref<32xi32, #tpu.memory_space<hbm>>) dst(%arg6 : memref<32xi32, #tpu.memory_space<vmem>>)
      tpu.yield
    }) : () -> ()
    %dma_start3A = arith.constant 0 : i32
    %dma_start3A_3 = tpu.memref_slice %arg2[%mul3A_2, %dma_start3A] : memref<1024x100000xf32, #tpu.memory_space<hbm>> -> memref<32x128xf32, #tpu.memory_space<hbm>>
    %dma_start3A_4 = arith.constant 0 : i32
    %dma_start3A_5 = tpu.memref_slice %arg2[%mul3A_2, %dma_start3A_4] : memref<1024x100000xf32, #tpu.memory_space<hbm>> -> memref<32x128xf32, #tpu.memory_space<hbm>>
    tpu.enqueue_dma source(%dma_start3A_5 : memref<32x128xf32, #tpu.memory_space<hbm>>) target(%arg8 : memref<32x128xf32, #tpu.memory_space<vmem>>) target_semaphore(%arg11 : memref<!tpu.dma_semaphore, #tpu.memory_space<semaphore_mem>>)
    %get3A = arith.constant 0 : index
    %get3A_6 = tpu.vector_load %arg6[%get3A] {strides = array<i32>} : memref<32xi32, #tpu.memory_space<vmem>>, vector<16xi32>,
    %shift_right_arithmetic3A = arith.constant 7 : i32
    %shift_right_arithmetic3A_7 = vector.broadcast %shift_right_arithmetic3A : i32 to vector<16xi32>
    %shift_right_arithmetic3A_8 = arith.shrsi %get3A_6, %shift_right_arithmetic3A_7 : vector<16xi32>
    %shift_left3A = arith.constant 7 : i32
    %shift_left3A_9 = vector.broadcast %shift_left3A : i32 to vector<16xi32>
    %shift_left3A_10 = arith.shli %shift_right_arithmetic3A_8, %shift_left3A_9 : vector<16xi32>
    %add3A_11 = arith.constant 0 : i32
    %add3A_12 = arith.addi %mul3A_2, %add3A_11 : i32
    %slice3A = vector.extract_strided_slice %shift_left3A_10 {offsets = [0], sizes = [1], strides = [1]} : vector<16xi32> to vector<1xi32>
    %squeeze3A = vector.extract %slice3A[0] : i32 from vector<1xi32>
    %multiple_of3A = tpu.assume_multiple %squeeze3A, 128 : i32
    %dma_start3A_13 = arith.constant 0 : i32
    %dma_start3A_14 = arith.constant 0 : i32
    %dma_start3A_15 = tpu.memref_slice %arg7[%dma_start3A_13, %dma_start3A_14] : memref<256x128xf32, #tpu.memory_space<vmem>> -> memref<8x128xf32, #tpu.memory_space<vmem>>
    %dma_start3A_16 = tpu.memref_slice %arg2[%add3A_12, %multiple_of3A] : memref<1024x100000xf32, #tpu.memory_space<hbm>> -> memref<8x128xf32, #tpu.memory_space<hbm>>
    %dma_start3A_17 = arith.constant 0 : i32
    %dma_start3A_18 = arith.constant 0 : i32
    %dma_start3A_19 = tpu.memref_slice %arg7[%dma_start3A_17, %dma_start3A_18] : memref<256x128xf32, #tpu.memory_space<vmem>> -> memref<8x128xf32, #tpu.memory_space<vmem>>
    %dma_start3A_20 = tpu.memref_slice %arg2[%add3A_12, %multiple_of3A] : memref<1024x100000xf32, #tpu.memory_space<hbm>> -> memref<8x128xf32, #tpu.memory_space<hbm>>
    tpu.enqueue_dma source(%dma_start3A_20 : memref<8x128xf32, #tpu.memory_space<hbm>>) target(%dma_start3A_19 : memref<8x128xf32, #tpu.memory_space<vmem>>) target_semaphore(%arg11 : memref<!tpu.dma_semaphore, #tpu.memory_space<semaphore_mem>>)
    %add3A_21 = arith.constant 0 : i32
    %add3A_22 = arith.addi %mul3A_2, %add3A_21 : i32
    %slice3A_23 = vector.extract_strided_slice %shift_left3A_10 {offsets = [1], sizes = [1], strides = [1]} : vector<16xi32> to vector<1xi32>
    %squeeze3A_24 = vector.extract %slice3A_23[0] : i32 from vector<1xi32>
    %multiple_of3A_25 = tpu.assume_multiple %squeeze3A_24, 128 : i32
    %dma_start3A_26 = arith.constant 8 : i32
    %dma_start3A_27 = arith.constant 0 : i32
    %dma_start3A_28 = tpu.memref_slice %arg7[%dma_start3A_26, %dma_start3A_27] : memref<256x128xf32, #tpu.memory_space<vmem>> -> memref<8x128xf32, #tpu.memory_space<vmem>>
    %dma_start3A_29 = tpu.memref_slice %arg2[%add3A_22, %multiple_of3A_25] : memref<1024x100000xf32, #tpu.memory_space<hbm>> -> memref<8x128xf32, #tpu.memory_space<hbm>>
    %dma_start3A_30 = arith.constant 8 : i32
    %dma_start3A_31 = arith.constant 0 : i32
    %dma_start3A_32 = tpu.memref_slice %arg7[%dma_start3A_30, %dma_start3A_31] : memref<256x128xf32, #tpu.memory_space<vmem>> -> memref<8x128xf32, #tpu.memory_space<vmem>>
    %dma_start3A_33 = tpu.memref_slice %arg2[%add3A_22, %multiple_of3A_25] : memref<1024x100000xf32, #tpu.memory_space<hbm>> -> memref<8x128xf32, #tpu.memory_space<hbm>>
    tpu.enqueue_dma source(%dma_start3A_33 : memref<8x128xf32, #tpu.memory_space<hbm>>) target(%dma_start3A_32 : memref<8x128xf32, #tpu.memory_space<vmem>>) target_semaphore(%arg11 : memref<!tpu.dma_semaphore, #tpu.memory_space<semaphore_mem>>)
    %add3A_34 = arith.constant 0 : i32
    %add3A_35 = arith.addi %mul3A_2, %add3A_34 : i32
    %slice3A_36 = vector.extract_strided_slice %shift_left3A_10 {offsets = [2], sizes = [1], strides = [1]} : vector<16xi32> to vector<1xi32>
    %squeeze3A_37 = vector.extract %slice3A_36[0] : i32 from vector<1xi32>
    %multiple_of3A_38 = tpu.assume_multiple %squeeze3A_37, 128 : i32
    %dma_start3A_39 = arith.constant 16 : i32
    %dma_start3A_40 = arith.constant 0 : i32
    %dma_start3A_41 = tpu.memref_slice %arg7[%dma_start3A_39, %dma_start3A_40] : memref<256x128xf32, #tpu.memory_space<vmem>> -> memref<8x128xf32, #tpu.memory_space<vmem>>
    %dma_start3A_42 = tpu.memref_slice %arg2[%add3A_35, %multiple_of3A_38] : memref<1024x100000xf32, #tpu.memory_space<hbm>> -> memref<8x128xf32, #tpu.memory_space<hbm>>
    %dma_start3A_43 = arith.constant 16 : i32
    %dma_start3A_44 = arith.constant 0 : i32
    %dma_start3A_45 = tpu.memref_slice %arg7[%dma_start3A_43, %dma_start3A_44] : memref<256x128xf32, #tpu.memory_space<vmem>> -> memref<8x128xf32, #tpu.memory_space<vmem>>
    %dma_start3A_46 = tpu.memref_slice %arg2[%add3A_35, %multiple_of3A_38] : memref<1024x100000xf32, #tpu.memory_space<hbm>> -> memref<8x128xf32, #tpu.memory_space<hbm>>
    tpu.enqueue_dma source(%dma_start3A_46 : memref<8x128xf32, #tpu.memory_space<hbm>>) target(%dma_start3A_45 : memref<8x128xf32, #tpu.memory_space<vmem>>) target_semaphore(%arg11 : memref<!tpu.dma_semaphore, #tpu.memory_space<semaphore_mem>>)
    %add3A_47 = arith.constant 0 : i32
    %add3A_48 = arith.addi %mul3A_2, %add3A_47 : i32
    %slice3A_49 = vector.extract_strided_slice %shift_left3A_10 {offsets = [3], sizes = [1], strides = [1]} : vector<16xi32> to vector<1xi32>
    %squeeze3A_50 = vector.extract %slice3A_49[0] : i32 from vector<1xi32>
    %multiple_of3A_51 = tpu.assume_multiple %squeeze3A_50, 128 : i32
    %dma_start3A_52 = arith.constant 24 : i32
    %dma_start3A_53 = arith.constant 0 : i32
    %dma_start3A_54 = tpu.memref_slice %arg7[%dma_start3A_52, %dma_start3A_53] : memref<256x128xf32, #tpu.memory_space<vmem>> -> memref<8x128xf32, #tpu.memory_space<vmem>>
    %dma_start3A_55 = tpu.memref_slice %arg2[%add3A_48, %multiple_of3A_51] : memref<1024x100000xf32, #tpu.memory_space<hbm>> -> memref<8x128xf32, #tpu.memory_space<hbm>>
    %dma_start3A_56 = arith.constant 24 : i32
    %dma_start3A_57 = arith.constant 0 : i32
    %dma_start3A_58 = tpu.memref_slice %arg7[%dma_start3A_56, %dma_start3A_57] : memref<256x128xf32, #tpu.memory_space<vmem>> -> memref<8x128xf32, #tpu.memory_space<vmem>>
    %dma_start3A_59 = tpu.memref_slice %arg2[%add3A_48, %multiple_of3A_51] : memref<1024x100000xf32, #tpu.memory_space<hbm>> -> memref<8x128xf32, #tpu.memory_space<hbm>>
    tpu.enqueue_dma source(%dma_start3A_59 : memref<8x128xf32, #tpu.memory_space<hbm>>) target(%dma_start3A_58 : memref<8x128xf32, #tpu.memory_space<vmem>>) target_semaphore(%arg11 : memref<!tpu.dma_semaphore, #tpu.memory_space<semaphore_mem>>)
    %add3A_60 = arith.constant 0 : i32
    %add3A_61 = arith.addi %mul3A_2, %add3A_60 : i32
    %slice3A_62 = vector.extract_strided_slice %shift_left3A_10 {offsets = [4], sizes = [1], strides = [1]} : vector<16xi32> to vector<1xi32>
    %squeeze3A_63 = vector.extract %slice3A_62[0] : i32 from vector<1xi32>
    %multiple_of3A_64 = tpu.assume_multiple %squeeze3A_63, 128 : i32
    %dma_start3A_65 = arith.constant 32 : i32
    %dma_start3A_66 = arith.constant 0 : i32
    %dma_start3A_67 = tpu.memref_slice %arg7[%dma_start3A_65, %dma_start3A_66] : memref<256x128xf32, #tpu.memory_space<vmem>> -> memref<8x128xf32, #tpu.memory_space<vmem>>
    %dma_start3A_68 = tpu.memref_slice %arg2[%add3A_61, %multiple_of3A_64] : memref<1024x100000xf32, #tpu.memory_space<hbm>> -> memref<8x128xf32, #tpu.memory_space<hbm>>
    %dma_start3A_69 = arith.constant 32 : i32
    %dma_start3A_70 = arith.constant 0 : i32
    %dma_start3A_71 = tpu.memref_slice %arg7[%dma_start3A_69, %dma_start3A_70] : memref<256x128xf32, #tpu.memory_space<vmem>> -> memref<8x128xf32, #tpu.memory_space<vmem>>
    %dma_start3A_72 = tpu.memref_slice %arg2[%add3A_61, %multiple_of3A_64] : memref<1024x100000xf32, #tpu.memory_space<hbm>> -> memref<8x128xf32, #tpu.memory_space<hbm>>
    tpu.enqueue_dma source(%dma_start3A_72 : memref<8x128xf32, #tpu.memory_space<hbm>>) target(%dma_start3A_71 : memref<8x128xf32, #tpu.memory_space<vmem>>) target_semaphore(%arg11 : memref<!tpu.dma_semaphore, #tpu.memory_space<semaphore_mem>>)
    %add3A_73 = arith.constant 0 : i32
    %add3A_74 = arith.addi %mul3A_2, %add3A_73 : i32
    %slice3A_75 = vector.extract_strided_slice %shift_left3A_10 {offsets = [5], sizes = [1], strides = [1]} : vector<16xi32> to vector<1xi32>
    %squeeze3A_76 = vector.extract %slice3A_75[0] : i32 from vector<1xi32>
    %multiple_of3A_77 = tpu.assume_multiple %squeeze3A_76, 128 : i32
    %dma_start3A_78 = arith.constant 40 : i32
    %dma_start3A_79 = arith.constant 0 : i32
    %dma_start3A_80 = tpu.memref_slice %arg7[%dma_start3A_78, %dma_start3A_79] : memref<256x128xf32, #tpu.memory_space<vmem>> -> memref<8x128xf32, #tpu.memory_space<vmem>>
    %dma_start3A_81 = tpu.memref_slice %arg2[%add3A_74, %multiple_of3A_77] : memref<1024x100000xf32, #tpu.memory_space<hbm>> -> memref<8x128xf32, #tpu.memory_space<hbm>>
    %dma_start3A_82 = arith.constant 40 : i32
    %dma_start3A_83 = arith.constant 0 : i32
    %dma_start3A_84 = tpu.memref_slice %arg7[%dma_start3A_82, %dma_start3A_83] : memref<256x128xf32, #tpu.memory_space<vmem>> -> memref<8x128xf32, #tpu.memory_space<vmem>>
    %dma_start3A_85 = tpu.memref_slice %arg2[%add3A_74, %multiple_of3A_77] : memref<1024x100000xf32, #tpu.memory_space<hbm>> -> memref<8x128xf32, #tpu.memory_space<hbm>>
    tpu.enqueue_dma source(%dma_start3A_85 : memref<8x128xf32, #tpu.memory_space<hbm>>) target(%dma_start3A_84 : memref<8x128xf32, #tpu.memory_space<vmem>>) target_semaphore(%arg11 : memref<!tpu.dma_semaphore, #tpu.memory_space<semaphore_mem>>)
    %add3A_86 = arith.constant 0 : i32
    %add3A_87 = arith.addi %mul3A_2, %add3A_86 : i32
    %slice3A_88 = vector.extract_strided_slice %shift_left3A_10 {offsets = [6], sizes = [1], strides = [1]} : vector<16xi32> to vector<1xi32>
    %squeeze3A_89 = vector.extract %slice3A_88[0] : i32 from vector<1xi32>
    %multiple_of3A_90 = tpu.assume_multiple %squeeze3A_89, 128 : i32
    %dma_start3A_91 = arith.constant 48 : i32
    %dma_start3A_92 = arith.constant 0 : i32
    %dma_start3A_93 = tpu.memref_slice %arg7[%dma_start3A_91, %dma_start3A_92] : memref<256x128xf32, #tpu.memory_space<vmem>> -> memref<8x128xf32, #tpu.memory_space<vmem>>
    %dma_start3A_94 = tpu.memref_slice %arg2[%add3A_87, %multiple_of3A_90] : memref<1024x100000xf32, #tpu.memory_space<hbm>> -> memref<8x128xf32, #tpu.memory_space<hbm>>
    %dma_start3A_95 = arith.constant 48 : i32
    %dma_start3A_96 = arith.constant 0 : i32
    %dma_start3A_97 = tpu.memref_slice %arg7[%dma_start3A_95, %dma_start3A_96] : memref<256x128xf32, #tpu.memory_space<vmem>> -> memref<8x128xf32, #tpu.memory_space<vmem>>
    %dma_start3A_98 = tpu.memref_slice %arg2[%add3A_87, %multiple_of3A_90] : memref<1024x100000xf32, #tpu.memory_space<hbm>> -> memref<8x128xf32, #tpu.memory_space<hbm>>
    tpu.enqueue_dma source(%dma_start3A_98 : memref<8x128xf32, #tpu.memory_space<hbm>>) target(%dma_start3A_97 : memref<8x128xf32, #tpu.memory_space<vmem>>) target_semaphore(%arg11 : memref<!tpu.dma_semaphore, #tpu.memory_space<semaphore_mem>>)
    %add3A_99 = arith.constant 0 : i32
    %add3A_100 = arith.addi %mul3A_2, %add3A_99 : i32
    %slice3A_101 = vector.extract_strided_slice %shift_left3A_10 {offsets = [7], sizes = [1], strides = [1]} : vector<16xi32> to vector<1xi32>
    %squeeze3A_102 = vector.extract %slice3A_101[0] : i32 from vector<1xi32>
    %multiple_of3A_103 = tpu.assume_multiple %squeeze3A_102, 128 : i32
    %dma_start3A_104 = arith.constant 56 : i32
    %dma_start3A_105 = arith.constant 0 : i32
    %dma_start3A_106 = tpu.memref_slice %arg7[%dma_start3A_104, %dma_start3A_105] : memref<256x128xf32, #tpu.memory_space<vmem>> -> memref<8x128xf32, #tpu.memory_space<vmem>>
    %dma_start3A_107 = tpu.memref_slice %arg2[%add3A_100, %multiple_of3A_103] : memref<1024x100000xf32, #tpu.memory_space<hbm>> -> memref<8x128xf32, #tpu.memory_space<hbm>>
    %dma_start3A_108 = arith.constant 56 : i32
    %dma_start3A_109 = arith.constant 0 : i32
    %dma_start3A_110 = tpu.memref_slice %arg7[%dma_start3A_108, %dma_start3A_109] : memref<256x128xf32, #tpu.memory_space<vmem>> -> memref<8x128xf32, #tpu.memory_space<vmem>>
    %dma_start3A_111 = tpu.memref_slice %arg2[%add3A_100, %multiple_of3A_103] : memref<1024x100000xf32, #tpu.memory_space<hbm>> -> memref<8x128xf32, #tpu.memory_space<hbm>>
    tpu.enqueue_dma source(%dma_start3A_111 : memref<8x128xf32, #tpu.memory_space<hbm>>) target(%dma_start3A_110 : memref<8x128xf32, #tpu.memory_space<vmem>>) target_semaphore(%arg11 : memref<!tpu.dma_semaphore, #tpu.memory_space<semaphore_mem>>)
    %add3A_112 = arith.constant 8 : i32
    %add3A_113 = arith.addi %mul3A_2, %add3A_112 : i32
    %slice3A_114 = vector.extract_strided_slice %shift_left3A_10 {offsets = [8], sizes = [1], strides = [1]} : vector<16xi32> to vector<1xi32>
    %squeeze3A_115 = vector.extract %slice3A_114[0] : i32 from vector<1xi32>
    %multiple_of3A_116 = tpu.assume_multiple %squeeze3A_115, 128 : i32
    %dma_start3A_117 = arith.constant 64 : i32
    %dma_start3A_118 = arith.constant 0 : i32
    %dma_start3A_119 = tpu.memref_slice %arg7[%dma_start3A_117, %dma_start3A_118] : memref<256x128xf32, #tpu.memory_space<vmem>> -> memref<8x128xf32, #tpu.memory_space<vmem>>
    %dma_start3A_120 = tpu.memref_slice %arg2[%add3A_113, %multiple_of3A_116] : memref<1024x100000xf32, #tpu.memory_space<hbm>> -> memref<8x128xf32, #tpu.memory_space<hbm>>
    %dma_start3A_121 = arith.constant 64 : i32
    %dma_start3A_122 = arith.constant 0 : i32
    %dma_start3A_123 = tpu.memref_slice %arg7[%dma_start3A_121, %dma_start3A_122] : memref<256x128xf32, #tpu.memory_space<vmem>> -> memref<8x128xf32, #tpu.memory_space<vmem>>
    %dma_start3A_124 = tpu.memref_slice %arg2[%add3A_113, %multiple_of3A_116] : memref<1024x100000xf32, #tpu.memory_space<hbm>> -> memref<8x128xf32, #tpu.memory_space<hbm>>
    tpu.enqueue_dma source(%dma_start3A_124 : memref<8x128xf32, #tpu.memory_space<hbm>>) target(%dma_start3A_123 : memref<8x128xf32, #tpu.memory_space<vmem>>) target_semaphore(%arg11 : memref<!tpu.dma_semaphore, #tpu.memory_space<semaphore_mem>>)
    %add3A_125 = arith.constant 8 : i32
    %add3A_126 = arith.addi %mul3A_2, %add3A_125 : i32
    %slice3A_127 = vector.extract_strided_slice %shift_left3A_10 {offsets = [9], sizes = [1], strides = [1]} : vector<16xi32> to vector<1xi32>
    %squeeze3A_128 = vector.extract %slice3A_127[0] : i32 from vector<1xi32>
    %multiple_of3A_129 = tpu.assume_multiple %squeeze3A_128, 128 : i32
    %dma_start3A_130 = arith.constant 72 : i32
    %dma_start3A_131 = arith.constant 0 : i32
    %dma_start3A_132 = tpu.memref_slice %arg7[%dma_start3A_130, %dma_start3A_131] : memref<256x128xf32, #tpu.memory_space<vmem>> -> memref<8x128xf32, #tpu.memory_space<vmem>>
    %dma_start3A_133 = tpu.memref_slice %arg2[%add3A_126, %multiple_of3A_129] : memref<1024x100000xf32, #tpu.memory_space<hbm>> -> memref<8x128xf32, #tpu.memory_space<hbm>>
    %dma_start3A_134 = arith.constant 72 : i32
    %dma_start3A_135 = arith.constant 0 : i32
    %dma_start3A_136 = tpu.memref_slice %arg7[%dma_start3A_134, %dma_start3A_135] : memref<256x128xf32, #tpu.memory_space<vmem>> -> memref<8x128xf32, #tpu.memory_space<vmem>>
    %dma_start3A_137 = tpu.memref_slice %arg2[%add3A_126, %multiple_of3A_129] : memref<1024x100000xf32, #tpu.memory_space<hbm>> -> memref<8x128xf32, #tpu.memory_space<hbm>>
    tpu.enqueue_dma source(%dma_start3A_137 : memref<8x128xf32, #tpu.memory_space<hbm>>) target(%dma_start3A_136 : memref<8x128xf32, #tpu.memory_space<vmem>>) target_semaphore(%arg11 : memref<!tpu.dma_semaphore, #tpu.memory_space<semaphore_mem>>)
    %add3A_138 = arith.constant 8 : i32
    %add3A_139 = arith.addi %mul3A_2, %add3A_138 : i32
    %slice3A_140 = vector.extract_strided_slice %shift_left3A_10 {offsets = [10], sizes = [1], strides = [1]} : vector<16xi32> to vector<1xi32>
    %squeeze3A_141 = vector.extract %slice3A_140[0] : i32 from vector<1xi32>
    %multiple_of3A_142 = tpu.assume_multiple %squeeze3A_141, 128 : i32
    %dma_start3A_143 = arith.constant 80 : i32
    %dma_start3A_144 = arith.constant 0 : i32
    %dma_start3A_145 = tpu.memref_slice %arg7[%dma_start3A_143, %dma_start3A_144] : memref<256x128xf32, #tpu.memory_space<vmem>> -> memref<8x128xf32, #tpu.memory_space<vmem>>
    %dma_start3A_146 = tpu.memref_slice %arg2[%add3A_139, %multiple_of3A_142] : memref<1024x100000xf32, #tpu.memory_space<hbm>> -> memref<8x128xf32, #tpu.memory_space<hbm>>
    %dma_start3A_147 = arith.constant 80 : i32
    %dma_start3A_148 = arith.constant 0 : i32
    %dma_start3A_149 = tpu.memref_slice %arg7[%dma_start3A_147, %dma_start3A_148] : memref<256x128xf32, #tpu.memory_space<vmem>> -> memref<8x128xf32, #tpu.memory_space<vmem>>
    %dma_start3A_150 = tpu.memref_slice %arg2[%add3A_139, %multiple_of3A_142] : memref<1024x100000xf32, #tpu.memory_space<hbm>> -> memref<8x128xf32, #tpu.memory_space<hbm>>
    tpu.enqueue_dma source(%dma_start3A_150 : memref<8x128xf32, #tpu.memory_space<hbm>>) target(%dma_start3A_149 : memref<8x128xf32, #tpu.memory_space<vmem>>) target_semaphore(%arg11 : memref<!tpu.dma_semaphore, #tpu.memory_space<semaphore_mem>>)
    %add3A_151 = arith.constant 8 : i32
    %add3A_152 = arith.addi %mul3A_2, %add3A_151 : i32
    %slice3A_153 = vector.extract_strided_slice %shift_left3A_10 {offsets = [11], sizes = [1], strides = [1]} : vector<16xi32> to vector<1xi32>
    %squeeze3A_154 = vector.extract %slice3A_153[0] : i32 from vector<1xi32>
    %multiple_of3A_155 = tpu.assume_multiple %squeeze3A_154, 128 : i32
    %dma_start3A_156 = arith.constant 88 : i32
    %dma_start3A_157 = arith.constant 0 : i32
    %dma_start3A_158 = tpu.memref_slice %arg7[%dma_start3A_156, %dma_start3A_157] : memref<256x128xf32, #tpu.memory_space<vmem>> -> memref<8x128xf32, #tpu.memory_space<vmem>>
    %dma_start3A_159 = tpu.memref_slice %arg2[%add3A_152, %multiple_of3A_155] : memref<1024x100000xf32, #tpu.memory_space<hbm>> -> memref<8x128xf32, #tpu.memory_space<hbm>>
    %dma_start3A_160 = arith.constant 88 : i32
    %dma_start3A_161 = arith.constant 0 : i32
    %dma_start3A_162 = tpu.memref_slice %arg7[%dma_start3A_160, %dma_start3A_161] : memref<256x128xf32, #tpu.memory_space<vmem>> -> memref<8x128xf32, #tpu.memory_space<vmem>>
    %dma_start3A_163 = tpu.memref_slice %arg2[%add3A_152, %multiple_of3A_155] : memref<1024x100000xf32, #tpu.memory_space<hbm>> -> memref<8x128xf32, #tpu.memory_space<hbm>>
    tpu.enqueue_dma source(%dma_start3A_163 : memref<8x128xf32, #tpu.memory_space<hbm>>) target(%dma_start3A_162 : memref<8x128xf32, #tpu.memory_space<vmem>>) target_semaphore(%arg11 : memref<!tpu.dma_semaphore, #tpu.memory_space<semaphore_mem>>)
    %add3A_164 = arith.constant 8 : i32
    %add3A_165 = arith.addi %mul3A_2, %add3A_164 : i32
    %slice3A_166 = vector.extract_strided_slice %shift_left3A_10 {offsets = [12], sizes = [1], strides = [1]} : vector<16xi32> to vector<1xi32>
    %squeeze3A_167 = vector.extract %slice3A_166[0] : i32 from vector<1xi32>
    %multiple_of3A_168 = tpu.assume_multiple %squeeze3A_167, 128 : i32
    %dma_start3A_169 = arith.constant 96 : i32
    %dma_start3A_170 = arith.constant 0 : i32
    %dma_start3A_171 = tpu.memref_slice %arg7[%dma_start3A_169, %dma_start3A_170] : memref<256x128xf32, #tpu.memory_space<vmem>> -> memref<8x128xf32, #tpu.memory_space<vmem>>
    %dma_start3A_172 = tpu.memref_slice %arg2[%add3A_165, %multiple_of3A_168] : memref<1024x100000xf32, #tpu.memory_space<hbm>> -> memref<8x128xf32, #tpu.memory_space<hbm>>
    %dma_start3A_173 = arith.constant 96 : i32
    %dma_start3A_174 = arith.constant 0 : i32
    %dma_start3A_175 = tpu.memref_slice %arg7[%dma_start3A_173, %dma_start3A_174] : memref<256x128xf32, #tpu.memory_space<vmem>> -> memref<8x128xf32, #tpu.memory_space<vmem>>
    %dma_start3A_176 = tpu.memref_slice %arg2[%add3A_165, %multiple_of3A_168] : memref<1024x100000xf32, #tpu.memory_space<hbm>> -> memref<8x128xf32, #tpu.memory_space<hbm>>
    tpu.enqueue_dma source(%dma_start3A_176 : memref<8x128xf32, #tpu.memory_space<hbm>>) target(%dma_start3A_175 : memref<8x128xf32, #tpu.memory_space<vmem>>) target_semaphore(%arg11 : memref<!tpu.dma_semaphore, #tpu.memory_space<semaphore_mem>>)
    %add3A_177 = arith.constant 8 : i32
    %add3A_178 = arith.addi %mul3A_2, %add3A_177 : i32
    %slice3A_179 = vector.extract_strided_slice %shift_left3A_10 {offsets = [13], sizes = [1], strides = [1]} : vector<16xi32> to vector<1xi32>
    %squeeze3A_180 = vector.extract %slice3A_179[0] : i32 from vector<1xi32>
    %multiple_of3A_181 = tpu.assume_multiple %squeeze3A_180, 128 : i32
    %dma_start3A_182 = arith.constant 104 : i32
    %dma_start3A_183 = arith.constant 0 : i32
    %dma_start3A_184 = tpu.memref_slice %arg7[%dma_start3A_182, %dma_start3A_183] : memref<256x128xf32, #tpu.memory_space<vmem>> -> memref<8x128xf32, #tpu.memory_space<vmem>>
    %dma_start3A_185 = tpu.memref_slice %arg2[%add3A_178, %multiple_of3A_181] : memref<1024x100000xf32, #tpu.memory_space<hbm>> -> memref<8x128xf32, #tpu.memory_space<hbm>>
    %dma_start3A_186 = arith.constant 104 : i32
    %dma_start3A_187 = arith.constant 0 : i32
    %dma_start3A_188 = tpu.memref_slice %arg7[%dma_start3A_186, %dma_start3A_187] : memref<256x128xf32, #tpu.memory_space<vmem>> -> memref<8x128xf32, #tpu.memory_space<vmem>>
    %dma_start3A_189 = tpu.memref_slice %arg2[%add3A_178, %multiple_of3A_181] : memref<1024x100000xf32, #tpu.memory_space<hbm>> -> memref<8x128xf32, #tpu.memory_space<hbm>>
    tpu.enqueue_dma source(%dma_start3A_189 : memref<8x128xf32, #tpu.memory_space<hbm>>) target(%dma_start3A_188 : memref<8x128xf32, #tpu.memory_space<vmem>>) target_semaphore(%arg11 : memref<!tpu.dma_semaphore, #tpu.memory_space<semaphore_mem>>)
    %add3A_190 = arith.constant 8 : i32
    %add3A_191 = arith.addi %mul3A_2, %add3A_190 : i32
    %slice3A_192 = vector.extract_strided_slice %shift_left3A_10 {offsets = [14], sizes = [1], strides = [1]} : vector<16xi32> to vector<1xi32>
    %squeeze3A_193 = vector.extract %slice3A_192[0] : i32 from vector<1xi32>
    %multiple_of3A_194 = tpu.assume_multiple %squeeze3A_193, 128 : i32
    %dma_start3A_195 = arith.constant 112 : i32
    %dma_start3A_196 = arith.constant 0 : i32
    %dma_start3A_197 = tpu.memref_slice %arg7[%dma_start3A_195, %dma_start3A_196] : memref<256x128xf32, #tpu.memory_space<vmem>> -> memref<8x128xf32, #tpu.memory_space<vmem>>
    %dma_start3A_198 = tpu.memref_slice %arg2[%add3A_191, %multiple_of3A_194] : memref<1024x100000xf32, #tpu.memory_space<hbm>> -> memref<8x128xf32, #tpu.memory_space<hbm>>
    %dma_start3A_199 = arith.constant 112 : i32
    %dma_start3A_200 = arith.constant 0 : i32
    %dma_start3A_201 = tpu.memref_slice %arg7[%dma_start3A_199, %dma_start3A_200] : memref<256x128xf32, #tpu.memory_space<vmem>> -> memref<8x128xf32, #tpu.memory_space<vmem>>
    %dma_start3A_202 = tpu.memref_slice %arg2[%add3A_191, %multiple_of3A_194] : memref<1024x100000xf32, #tpu.memory_space<hbm>> -> memref<8x128xf32, #tpu.memory_space<hbm>>
    tpu.enqueue_dma source(%dma_start3A_202 : memref<8x128xf32, #tpu.memory_space<hbm>>) target(%dma_start3A_201 : memref<8x128xf32, #tpu.memory_space<vmem>>) target_semaphore(%arg11 : memref<!tpu.dma_semaphore, #tpu.memory_space<semaphore_mem>>)
    %add3A_203 = arith.constant 8 : i32
    %add3A_204 = arith.addi %mul3A_2, %add3A_203 : i32
    %slice3A_205 = vector.extract_strided_slice %shift_left3A_10 {offsets = [15], sizes = [1], strides = [1]} : vector<16xi32> to vector<1xi32>
    %squeeze3A_206 = vector.extract %slice3A_205[0] : i32 from vector<1xi32>
    %multiple_of3A_207 = tpu.assume_multiple %squeeze3A_206, 128 : i32
    %dma_start3A_208 = arith.constant 120 : i32
    %dma_start3A_209 = arith.constant 0 : i32
    %dma_start3A_210 = tpu.memref_slice %arg7[%dma_start3A_208, %dma_start3A_209] : memref<256x128xf32, #tpu.memory_space<vmem>> -> memref<8x128xf32, #tpu.memory_space<vmem>>
    %dma_start3A_211 = tpu.memref_slice %arg2[%add3A_204, %multiple_of3A_207] : memref<1024x100000xf32, #tpu.memory_space<hbm>> -> memref<8x128xf32, #tpu.memory_space<hbm>>
    %dma_start3A_212 = arith.constant 120 : i32
    %dma_start3A_213 = arith.constant 0 : i32
    %dma_start3A_214 = tpu.memref_slice %arg7[%dma_start3A_212, %dma_start3A_213] : memref<256x128xf32, #tpu.memory_space<vmem>> -> memref<8x128xf32, #tpu.memory_space<vmem>>
    %dma_start3A_215 = tpu.memref_slice %arg2[%add3A_204, %multiple_of3A_207] : memref<1024x100000xf32, #tpu.memory_space<hbm>> -> memref<8x128xf32, #tpu.memory_space<hbm>>
    tpu.enqueue_dma source(%dma_start3A_215 : memref<8x128xf32, #tpu.memory_space<hbm>>) target(%dma_start3A_214 : memref<8x128xf32, #tpu.memory_space<vmem>>) target_semaphore(%arg11 : memref<!tpu.dma_semaphore, #tpu.memory_space<semaphore_mem>>)
    %get3A_216 = arith.constant 16 : index
    %get3A_217 = tpu.vector_load %arg6[%get3A_216] {strides = array<i32>} : memref<32xi32, #tpu.memory_space<vmem>>, vector<16xi32>,
    %shift_right_arithmetic3A_218 = arith.constant 7 : i32
    %shift_right_arithmetic3A_219 = vector.broadcast %shift_right_arithmetic3A_218 : i32 to vector<16xi32>
    %shift_right_arithmetic3A_220 = arith.shrsi %get3A_217, %shift_right_arithmetic3A_219 : vector<16xi32>
    %shift_left3A_221 = arith.constant 7 : i32
    %shift_left3A_222 = vector.broadcast %shift_left3A_221 : i32 to vector<16xi32>
    %shift_left3A_223 = arith.shli %shift_right_arithmetic3A_220, %shift_left3A_222 : vector<16xi32>
    %add3A_224 = arith.constant 16 : i32
    %add3A_225 = arith.addi %mul3A_2, %add3A_224 : i32
    %slice3A_226 = vector.extract_strided_slice %shift_left3A_223 {offsets = [0], sizes = [1], strides = [1]} : vector<16xi32> to vector<1xi32>
    %squeeze3A_227 = vector.extract %slice3A_226[0] : i32 from vector<1xi32>
    %multiple_of3A_228 = tpu.assume_multiple %squeeze3A_227, 128 : i32
    %dma_start3A_229 = arith.constant 128 : i32
    %dma_start3A_230 = arith.constant 0 : i32
    %dma_start3A_231 = tpu.memref_slice %arg7[%dma_start3A_229, %dma_start3A_230] : memref<256x128xf32, #tpu.memory_space<vmem>> -> memref<8x128xf32, #tpu.memory_space<vmem>>
    %dma_start3A_232 = tpu.memref_slice %arg2[%add3A_225, %multiple_of3A_228] : memref<1024x100000xf32, #tpu.memory_space<hbm>> -> memref<8x128xf32, #tpu.memory_space<hbm>>
    %dma_start3A_233 = arith.constant 128 : i32
    %dma_start3A_234 = arith.constant 0 : i32
    %dma_start3A_235 = tpu.memref_slice %arg7[%dma_start3A_233, %dma_start3A_234] : memref<256x128xf32, #tpu.memory_space<vmem>> -> memref<8x128xf32, #tpu.memory_space<vmem>>
    %dma_start3A_236 = tpu.memref_slice %arg2[%add3A_225, %multiple_of3A_228] : memref<1024x100000xf32, #tpu.memory_space<hbm>> -> memref<8x128xf32, #tpu.memory_space<hbm>>
    tpu.enqueue_dma source(%dma_start3A_236 : memref<8x128xf32, #tpu.memory_space<hbm>>) target(%dma_start3A_235 : memref<8x128xf32, #tpu.memory_space<vmem>>) target_semaphore(%arg11 : memref<!tpu.dma_semaphore, #tpu.memory_space<semaphore_mem>>)
    %add3A_237 = arith.constant 16 : i32
    %add3A_238 = arith.addi %mul3A_2, %add3A_237 : i32
    %slice3A_239 = vector.extract_strided_slice %shift_left3A_223 {offsets = [1], sizes = [1], strides = [1]} : vector<16xi32> to vector<1xi32>
    %squeeze3A_240 = vector.extract %slice3A_239[0] : i32 from vector<1xi32>
    %multiple_of3A_241 = tpu.assume_multiple %squeeze3A_240, 128 : i32
    %dma_start3A_242 = arith.constant 136 : i32
    %dma_start3A_243 = arith.constant 0 : i32
    %dma_start3A_244 = tpu.memref_slice %arg7[%dma_start3A_242, %dma_start3A_243] : memref<256x128xf32, #tpu.memory_space<vmem>> -> memref<8x128xf32, #tpu.memory_space<vmem>>
    %dma_start3A_245 = tpu.memref_slice %arg2[%add3A_238, %multiple_of3A_241] : memref<1024x100000xf32, #tpu.memory_space<hbm>> -> memref<8x128xf32, #tpu.memory_space<hbm>>
    %dma_start3A_246 = arith.constant 136 : i32
    %dma_start3A_247 = arith.constant 0 : i32
    %dma_start3A_248 = tpu.memref_slice %arg7[%dma_start3A_246, %dma_start3A_247] : memref<256x128xf32, #tpu.memory_space<vmem>> -> memref<8x128xf32, #tpu.memory_space<vmem>>
    %dma_start3A_249 = tpu.memref_slice %arg2[%add3A_238, %multiple_of3A_241] : memref<1024x100000xf32, #tpu.memory_space<hbm>> -> memref<8x128xf32, #tpu.memory_space<hbm>>
    tpu.enqueue_dma source(%dma_start3A_249 : memref<8x128xf32, #tpu.memory_space<hbm>>) target(%dma_start3A_248 : memref<8x128xf32, #tpu.memory_space<vmem>>) target_semaphore(%arg11 : memref<!tpu.dma_semaphore, #tpu.memory_space<semaphore_mem>>)
    %add3A_250 = arith.constant 16 : i32
    %add3A_251 = arith.addi %mul3A_2, %add3A_250 : i32
    %slice3A_252 = vector.extract_strided_slice %shift_left3A_223 {offsets = [2], sizes = [1], strides = [1]} : vector<16xi32> to vector<1xi32>
    %squeeze3A_253 = vector.extract %slice3A_252[0] : i32 from vector<1xi32>
    %multiple_of3A_254 = tpu.assume_multiple %squeeze3A_253, 128 : i32
    %dma_start3A_255 = arith.constant 144 : i32
    %dma_start3A_256 = arith.constant 0 : i32
    %dma_start3A_257 = tpu.memref_slice %arg7[%dma_start3A_255, %dma_start3A_256] : memref<256x128xf32, #tpu.memory_space<vmem>> -> memref<8x128xf32, #tpu.memory_space<vmem>>
    %dma_start3A_258 = tpu.memref_slice %arg2[%add3A_251, %multiple_of3A_254] : memref<1024x100000xf32, #tpu.memory_space<hbm>> -> memref<8x128xf32, #tpu.memory_space<hbm>>
    %dma_start3A_259 = arith.constant 144 : i32
    %dma_start3A_260 = arith.constant 0 : i32
    %dma_start3A_261 = tpu.memref_slice %arg7[%dma_start3A_259, %dma_start3A_260] : memref<256x128xf32, #tpu.memory_space<vmem>> -> memref<8x128xf32, #tpu.memory_space<vmem>>
    %dma_start3A_262 = tpu.memref_slice %arg2[%add3A_251, %multiple_of3A_254] : memref<1024x100000xf32, #tpu.memory_space<hbm>> -> memref<8x128xf32, #tpu.memory_space<hbm>>
    tpu.enqueue_dma source(%dma_start3A_262 : memref<8x128xf32, #tpu.memory_space<hbm>>) target(%dma_start3A_261 : memref<8x128xf32, #tpu.memory_space<vmem>>) target_semaphore(%arg11 : memref<!tpu.dma_semaphore, #tpu.memory_space<semaphore_mem>>)
    %add3A_263 = arith.constant 16 : i32
    %add3A_264 = arith.addi %mul3A_2, %add3A_263 : i32
    %slice3A_265 = vector.extract_strided_slice %shift_left3A_223 {offsets = [3], sizes = [1], strides = [1]} : vector<16xi32> to vector<1xi32>
    %squeeze3A_266 = vector.extract %slice3A_265[0] : i32 from vector<1xi32>
    %multiple_of3A_267 = tpu.assume_multiple %squeeze3A_266, 128 : i32
    %dma_start3A_268 = arith.constant 152 : i32
    %dma_start3A_269 = arith.constant 0 : i32
    %dma_start3A_270 = tpu.memref_slice %arg7[%dma_start3A_268, %dma_start3A_269] : memref<256x128xf32, #tpu.memory_space<vmem>> -> memref<8x128xf32, #tpu.memory_space<vmem>>
    %dma_start3A_271 = tpu.memref_slice %arg2[%add3A_264, %multiple_of3A_267] : memref<1024x100000xf32, #tpu.memory_space<hbm>> -> memref<8x128xf32, #tpu.memory_space<hbm>>
    %dma_start3A_272 = arith.constant 152 : i32
    %dma_start3A_273 = arith.constant 0 : i32
    %dma_start3A_274 = tpu.memref_slice %arg7[%dma_start3A_272, %dma_start3A_273] : memref<256x128xf32, #tpu.memory_space<vmem>> -> memref<8x128xf32, #tpu.memory_space<vmem>>
    %dma_start3A_275 = tpu.memref_slice %arg2[%add3A_264, %multiple_of3A_267] : memref<1024x100000xf32, #tpu.memory_space<hbm>> -> memref<8x128xf32, #tpu.memory_space<hbm>>
    tpu.enqueue_dma source(%dma_start3A_275 : memref<8x128xf32, #tpu.memory_space<hbm>>) target(%dma_start3A_274 : memref<8x128xf32, #tpu.memory_space<vmem>>) target_semaphore(%arg11 : memref<!tpu.dma_semaphore, #tpu.memory_space<semaphore_mem>>)
    %add3A_276 = arith.constant 16 : i32
    %add3A_277 = arith.addi %mul3A_2, %add3A_276 : i32
    %slice3A_278 = vector.extract_strided_slice %shift_left3A_223 {offsets = [4], sizes = [1], strides = [1]} : vector<16xi32> to vector<1xi32>
    %squeeze3A_279 = vector.extract %slice3A_278[0] : i32 from vector<1xi32>
    %multiple_of3A_280 = tpu.assume_multiple %squeeze3A_279, 128 : i32
    %dma_start3A_281 = arith.constant 160 : i32
    %dma_start3A_282 = arith.constant 0 : i32
    %dma_start3A_283 = tpu.memref_slice %arg7[%dma_start3A_281, %dma_start3A_282] : memref<256x128xf32, #tpu.memory_space<vmem>> -> memref<8x128xf32, #tpu.memory_space<vmem>>
    %dma_start3A_284 = tpu.memref_slice %arg2[%add3A_277, %multiple_of3A_280] : memref<1024x100000xf32, #tpu.memory_space<hbm>> -> memref<8x128xf32, #tpu.memory_space<hbm>>
    %dma_start3A_285 = arith.constant 160 : i32
    %dma_start3A_286 = arith.constant 0 : i32
    %dma_start3A_287 = tpu.memref_slice %arg7[%dma_start3A_285, %dma_start3A_286] : memref<256x128xf32, #tpu.memory_space<vmem>> -> memref<8x128xf32, #tpu.memory_space<vmem>>
    %dma_start3A_288 = tpu.memref_slice %arg2[%add3A_277, %multiple_of3A_280] : memref<1024x100000xf32, #tpu.memory_space<hbm>> -> memref<8x128xf32, #tpu.memory_space<hbm>>
    tpu.enqueue_dma source(%dma_start3A_288 : memref<8x128xf32, #tpu.memory_space<hbm>>) target(%dma_start3A_287 : memref<8x128xf32, #tpu.memory_space<vmem>>) target_semaphore(%arg11 : memref<!tpu.dma_semaphore, #tpu.memory_space<semaphore_mem>>)
    %add3A_289 = arith.constant 16 : i32
    %add3A_290 = arith.addi %mul3A_2, %add3A_289 : i32
    %slice3A_291 = vector.extract_strided_slice %shift_left3A_223 {offsets = [5], sizes = [1], strides = [1]} : vector<16xi32> to vector<1xi32>
    %squeeze3A_292 = vector.extract %slice3A_291[0] : i32 from vector<1xi32>
    %multiple_of3A_293 = tpu.assume_multiple %squeeze3A_292, 128 : i32
    %dma_start3A_294 = arith.constant 168 : i32
    %dma_start3A_295 = arith.constant 0 : i32
    %dma_start3A_296 = tpu.memref_slice %arg7[%dma_start3A_294, %dma_start3A_295] : memref<256x128xf32, #tpu.memory_space<vmem>> -> memref<8x128xf32, #tpu.memory_space<vmem>>
    %dma_start3A_297 = tpu.memref_slice %arg2[%add3A_290, %multiple_of3A_293] : memref<1024x100000xf32, #tpu.memory_space<hbm>> -> memref<8x128xf32, #tpu.memory_space<hbm>>
    %dma_start3A_298 = arith.constant 168 : i32
    %dma_start3A_299 = arith.constant 0 : i32
    %dma_start3A_300 = tpu.memref_slice %arg7[%dma_start3A_298, %dma_start3A_299] : memref<256x128xf32, #tpu.memory_space<vmem>> -> memref<8x128xf32, #tpu.memory_space<vmem>>
    %dma_start3A_301 = tpu.memref_slice %arg2[%add3A_290, %multiple_of3A_293] : memref<1024x100000xf32, #tpu.memory_space<hbm>> -> memref<8x128xf32, #tpu.memory_space<hbm>>
    tpu.enqueue_dma source(%dma_start3A_301 : memref<8x128xf32, #tpu.memory_space<hbm>>) target(%dma_start3A_300 : memref<8x128xf32, #tpu.memory_space<vmem>>) target_semaphore(%arg11 : memref<!tpu.dma_semaphore, #tpu.memory_space<semaphore_mem>>)
    %add3A_302 = arith.constant 16 : i32
    %add3A_303 = arith.addi %mul3A_2, %add3A_302 : i32
    %slice3A_304 = vector.extract_strided_slice %shift_left3A_223 {offsets = [6], sizes = [1], strides = [1]} : vector<16xi32> to vector<1xi32>
    %squeeze3A_305 = vector.extract %slice3A_304[0] : i32 from vector<1xi32>
    %multiple_of3A_306 = tpu.assume_multiple %squeeze3A_305, 128 : i32
    %dma_start3A_307 = arith.constant 176 : i32
    %dma_start3A_308 = arith.constant 0 : i32
    %dma_start3A_309 = tpu.memref_slice %arg7[%dma_start3A_307, %dma_start3A_308] : memref<256x128xf32, #tpu.memory_space<vmem>> -> memref<8x128xf32, #tpu.memory_space<vmem>>
    %dma_start3A_310 = tpu.memref_slice %arg2[%add3A_303, %multiple_of3A_306] : memref<1024x100000xf32, #tpu.memory_space<hbm>> -> memref<8x128xf32, #tpu.memory_space<hbm>>
    %dma_start3A_311 = arith.constant 176 : i32
    %dma_start3A_312 = arith.constant 0 : i32
    %dma_start3A_313 = tpu.memref_slice %arg7[%dma_start3A_311, %dma_start3A_312] : memref<256x128xf32, #tpu.memory_space<vmem>> -> memref<8x128xf32, #tpu.memory_space<vmem>>
    %dma_start3A_314 = tpu.memref_slice %arg2[%add3A_303, %multiple_of3A_306] : memref<1024x100000xf32, #tpu.memory_space<hbm>> -> memref<8x128xf32, #tpu.memory_space<hbm>>
    tpu.enqueue_dma source(%dma_start3A_314 : memref<8x128xf32, #tpu.memory_space<hbm>>) target(%dma_start3A_313 : memref<8x128xf32, #tpu.memory_space<vmem>>) target_semaphore(%arg11 : memref<!tpu.dma_semaphore, #tpu.memory_space<semaphore_mem>>)
    %add3A_315 = arith.constant 16 : i32
    %add3A_316 = arith.addi %mul3A_2, %add3A_315 : i32
    %slice3A_317 = vector.extract_strided_slice %shift_left3A_223 {offsets = [7], sizes = [1], strides = [1]} : vector<16xi32> to vector<1xi32>
    %squeeze3A_318 = vector.extract %slice3A_317[0] : i32 from vector<1xi32>
    %multiple_of3A_319 = tpu.assume_multiple %squeeze3A_318, 128 : i32
    %dma_start3A_320 = arith.constant 184 : i32
    %dma_start3A_321 = arith.constant 0 : i32
    %dma_start3A_322 = tpu.memref_slice %arg7[%dma_start3A_320, %dma_start3A_321] : memref<256x128xf32, #tpu.memory_space<vmem>> -> memref<8x128xf32, #tpu.memory_space<vmem>>
    %dma_start3A_323 = tpu.memref_slice %arg2[%add3A_316, %multiple_of3A_319] : memref<1024x100000xf32, #tpu.memory_space<hbm>> -> memref<8x128xf32, #tpu.memory_space<hbm>>
    %dma_start3A_324 = arith.constant 184 : i32
    %dma_start3A_325 = arith.constant 0 : i32
    %dma_start3A_326 = tpu.memref_slice %arg7[%dma_start3A_324, %dma_start3A_325] : memref<256x128xf32, #tpu.memory_space<vmem>> -> memref<8x128xf32, #tpu.memory_space<vmem>>
    %dma_start3A_327 = tpu.memref_slice %arg2[%add3A_316, %multiple_of3A_319] : memref<1024x100000xf32, #tpu.memory_space<hbm>> -> memref<8x128xf32, #tpu.memory_space<hbm>>
    tpu.enqueue_dma source(%dma_start3A_327 : memref<8x128xf32, #tpu.memory_space<hbm>>) target(%dma_start3A_326 : memref<8x128xf32, #tpu.memory_space<vmem>>) target_semaphore(%arg11 : memref<!tpu.dma_semaphore, #tpu.memory_space<semaphore_mem>>)
    %add3A_328 = arith.constant 24 : i32
    %add3A_329 = arith.addi %mul3A_2, %add3A_328 : i32
    %slice3A_330 = vector.extract_strided_slice %shift_left3A_223 {offsets = [8], sizes = [1], strides = [1]} : vector<16xi32> to vector<1xi32>
    %squeeze3A_331 = vector.extract %slice3A_330[0] : i32 from vector<1xi32>
    %multiple_of3A_332 = tpu.assume_multiple %squeeze3A_331, 128 : i32
    %dma_start3A_333 = arith.constant 192 : i32
    %dma_start3A_334 = arith.constant 0 : i32
    %dma_start3A_335 = tpu.memref_slice %arg7[%dma_start3A_333, %dma_start3A_334] : memref<256x128xf32, #tpu.memory_space<vmem>> -> memref<8x128xf32, #tpu.memory_space<vmem>>
    %dma_start3A_336 = tpu.memref_slice %arg2[%add3A_329, %multiple_of3A_332] : memref<1024x100000xf32, #tpu.memory_space<hbm>> -> memref<8x128xf32, #tpu.memory_space<hbm>>
    %dma_start3A_337 = arith.constant 192 : i32
    %dma_start3A_338 = arith.constant 0 : i32
    %dma_start3A_339 = tpu.memref_slice %arg7[%dma_start3A_337, %dma_start3A_338] : memref<256x128xf32, #tpu.memory_space<vmem>> -> memref<8x128xf32, #tpu.memory_space<vmem>>
    %dma_start3A_340 = tpu.memref_slice %arg2[%add3A_329, %multiple_of3A_332] : memref<1024x100000xf32, #tpu.memory_space<hbm>> -> memref<8x128xf32, #tpu.memory_space<hbm>>
    tpu.enqueue_dma source(%dma_start3A_340 : memref<8x128xf32, #tpu.memory_space<hbm>>) target(%dma_start3A_339 : memref<8x128xf32, #tpu.memory_space<vmem>>) target_semaphore(%arg11 : memref<!tpu.dma_semaphore, #tpu.memory_space<semaphore_mem>>)
    %add3A_341 = arith.constant 24 : i32
    %add3A_342 = arith.addi %mul3A_2, %add3A_341 : i32
    %slice3A_343 = vector.extract_strided_slice %shift_left3A_223 {offsets = [9], sizes = [1], strides = [1]} : vector<16xi32> to vector<1xi32>
    %squeeze3A_344 = vector.extract %slice3A_343[0] : i32 from vector<1xi32>
    %multiple_of3A_345 = tpu.assume_multiple %squeeze3A_344, 128 : i32
    %dma_start3A_346 = arith.constant 200 : i32
    %dma_start3A_347 = arith.constant 0 : i32
    %dma_start3A_348 = tpu.memref_slice %arg7[%dma_start3A_346, %dma_start3A_347] : memref<256x128xf32, #tpu.memory_space<vmem>> -> memref<8x128xf32, #tpu.memory_space<vmem>>
    %dma_start3A_349 = tpu.memref_slice %arg2[%add3A_342, %multiple_of3A_345] : memref<1024x100000xf32, #tpu.memory_space<hbm>> -> memref<8x128xf32, #tpu.memory_space<hbm>>
    %dma_start3A_350 = arith.constant 200 : i32
    %dma_start3A_351 = arith.constant 0 : i32
    %dma_start3A_352 = tpu.memref_slice %arg7[%dma_start3A_350, %dma_start3A_351] : memref<256x128xf32, #tpu.memory_space<vmem>> -> memref<8x128xf32, #tpu.memory_space<vmem>>
    %dma_start3A_353 = tpu.memref_slice %arg2[%add3A_342, %multiple_of3A_345] : memref<1024x100000xf32, #tpu.memory_space<hbm>> -> memref<8x128xf32, #tpu.memory_space<hbm>>
    tpu.enqueue_dma source(%dma_start3A_353 : memref<8x128xf32, #tpu.memory_space<hbm>>) target(%dma_start3A_352 : memref<8x128xf32, #tpu.memory_space<vmem>>) target_semaphore(%arg11 : memref<!tpu.dma_semaphore, #tpu.memory_space<semaphore_mem>>)
    %add3A_354 = arith.constant 24 : i32
    %add3A_355 = arith.addi %mul3A_2, %add3A_354 : i32
    %slice3A_356 = vector.extract_strided_slice %shift_left3A_223 {offsets = [10], sizes = [1], strides = [1]} : vector<16xi32> to vector<1xi32>
    %squeeze3A_357 = vector.extract %slice3A_356[0] : i32 from vector<1xi32>
    %multiple_of3A_358 = tpu.assume_multiple %squeeze3A_357, 128 : i32
    %dma_start3A_359 = arith.constant 208 : i32
    %dma_start3A_360 = arith.constant 0 : i32
    %dma_start3A_361 = tpu.memref_slice %arg7[%dma_start3A_359, %dma_start3A_360] : memref<256x128xf32, #tpu.memory_space<vmem>> -> memref<8x128xf32, #tpu.memory_space<vmem>>
    %dma_start3A_362 = tpu.memref_slice %arg2[%add3A_355, %multiple_of3A_358] : memref<1024x100000xf32, #tpu.memory_space<hbm>> -> memref<8x128xf32, #tpu.memory_space<hbm>>
    %dma_start3A_363 = arith.constant 208 : i32
    %dma_start3A_364 = arith.constant 0 : i32
    %dma_start3A_365 = tpu.memref_slice %arg7[%dma_start3A_363, %dma_start3A_364] : memref<256x128xf32, #tpu.memory_space<vmem>> -> memref<8x128xf32, #tpu.memory_space<vmem>>
    %dma_start3A_366 = tpu.memref_slice %arg2[%add3A_355, %multiple_of3A_358] : memref<1024x100000xf32, #tpu.memory_space<hbm>> -> memref<8x128xf32, #tpu.memory_space<hbm>>
    tpu.enqueue_dma source(%dma_start3A_366 : memref<8x128xf32, #tpu.memory_space<hbm>>) target(%dma_start3A_365 : memref<8x128xf32, #tpu.memory_space<vmem>>) target_semaphore(%arg11 : memref<!tpu.dma_semaphore, #tpu.memory_space<semaphore_mem>>)
    %add3A_367 = arith.constant 24 : i32
    %add3A_368 = arith.addi %mul3A_2, %add3A_367 : i32
    %slice3A_369 = vector.extract_strided_slice %shift_left3A_223 {offsets = [11], sizes = [1], strides = [1]} : vector<16xi32> to vector<1xi32>
    %squeeze3A_370 = vector.extract %slice3A_369[0] : i32 from vector<1xi32>
    %multiple_of3A_371 = tpu.assume_multiple %squeeze3A_370, 128 : i32
    %dma_start3A_372 = arith.constant 216 : i32
    %dma_start3A_373 = arith.constant 0 : i32
    %dma_start3A_374 = tpu.memref_slice %arg7[%dma_start3A_372, %dma_start3A_373] : memref<256x128xf32, #tpu.memory_space<vmem>> -> memref<8x128xf32, #tpu.memory_space<vmem>>
    %dma_start3A_375 = tpu.memref_slice %arg2[%add3A_368, %multiple_of3A_371] : memref<1024x100000xf32, #tpu.memory_space<hbm>> -> memref<8x128xf32, #tpu.memory_space<hbm>>
    %dma_start3A_376 = arith.constant 216 : i32
    %dma_start3A_377 = arith.constant 0 : i32
    %dma_start3A_378 = tpu.memref_slice %arg7[%dma_start3A_376, %dma_start3A_377] : memref<256x128xf32, #tpu.memory_space<vmem>> -> memref<8x128xf32, #tpu.memory_space<vmem>>
    %dma_start3A_379 = tpu.memref_slice %arg2[%add3A_368, %multiple_of3A_371] : memref<1024x100000xf32, #tpu.memory_space<hbm>> -> memref<8x128xf32, #tpu.memory_space<hbm>>
    tpu.enqueue_dma source(%dma_start3A_379 : memref<8x128xf32, #tpu.memory_space<hbm>>) target(%dma_start3A_378 : memref<8x128xf32, #tpu.memory_space<vmem>>) target_semaphore(%arg11 : memref<!tpu.dma_semaphore, #tpu.memory_space<semaphore_mem>>)
    %add3A_380 = arith.constant 24 : i32
    %add3A_381 = arith.addi %mul3A_2, %add3A_380 : i32
    %slice3A_382 = vector.extract_strided_slice %shift_left3A_223 {offsets = [12], sizes = [1], strides = [1]} : vector<16xi32> to vector<1xi32>
    %squeeze3A_383 = vector.extract %slice3A_382[0] : i32 from vector<1xi32>
    %multiple_of3A_384 = tpu.assume_multiple %squeeze3A_383, 128 : i32
    %dma_start3A_385 = arith.constant 224 : i32
    %dma_start3A_386 = arith.constant 0 : i32
    %dma_start3A_387 = tpu.memref_slice %arg7[%dma_start3A_385, %dma_start3A_386] : memref<256x128xf32, #tpu.memory_space<vmem>> -> memref<8x128xf32, #tpu.memory_space<vmem>>
    %dma_start3A_388 = tpu.memref_slice %arg2[%add3A_381, %multiple_of3A_384] : memref<1024x100000xf32, #tpu.memory_space<hbm>> -> memref<8x128xf32, #tpu.memory_space<hbm>>
    %dma_start3A_389 = arith.constant 224 : i32
    %dma_start3A_390 = arith.constant 0 : i32
    %dma_start3A_391 = tpu.memref_slice %arg7[%dma_start3A_389, %dma_start3A_390] : memref<256x128xf32, #tpu.memory_space<vmem>> -> memref<8x128xf32, #tpu.memory_space<vmem>>
    %dma_start3A_392 = tpu.memref_slice %arg2[%add3A_381, %multiple_of3A_384] : memref<1024x100000xf32, #tpu.memory_space<hbm>> -> memref<8x128xf32, #tpu.memory_space<hbm>>
    tpu.enqueue_dma source(%dma_start3A_392 : memref<8x128xf32, #tpu.memory_space<hbm>>) target(%dma_start3A_391 : memref<8x128xf32, #tpu.memory_space<vmem>>) target_semaphore(%arg11 : memref<!tpu.dma_semaphore, #tpu.memory_space<semaphore_mem>>)
    %add3A_393 = arith.constant 24 : i32
    %add3A_394 = arith.addi %mul3A_2, %add3A_393 : i32
    %slice3A_395 = vector.extract_strided_slice %shift_left3A_223 {offsets = [13], sizes = [1], strides = [1]} : vector<16xi32> to vector<1xi32>
    %squeeze3A_396 = vector.extract %slice3A_395[0] : i32 from vector<1xi32>
    %multiple_of3A_397 = tpu.assume_multiple %squeeze3A_396, 128 : i32
    %dma_start3A_398 = arith.constant 232 : i32
    %dma_start3A_399 = arith.constant 0 : i32
    %dma_start3A_400 = tpu.memref_slice %arg7[%dma_start3A_398, %dma_start3A_399] : memref<256x128xf32, #tpu.memory_space<vmem>> -> memref<8x128xf32, #tpu.memory_space<vmem>>
    %dma_start3A_401 = tpu.memref_slice %arg2[%add3A_394, %multiple_of3A_397] : memref<1024x100000xf32, #tpu.memory_space<hbm>> -> memref<8x128xf32, #tpu.memory_space<hbm>>
    %dma_start3A_402 = arith.constant 232 : i32
    %dma_start3A_403 = arith.constant 0 : i32
    %dma_start3A_404 = tpu.memref_slice %arg7[%dma_start3A_402, %dma_start3A_403] : memref<256x128xf32, #tpu.memory_space<vmem>> -> memref<8x128xf32, #tpu.memory_space<vmem>>
    %dma_start3A_405 = tpu.memref_slice %arg2[%add3A_394, %multiple_of3A_397] : memref<1024x100000xf32, #tpu.memory_space<hbm>> -> memref<8x128xf32, #tpu.memory_space<hbm>>
    tpu.enqueue_dma source(%dma_start3A_405 : memref<8x128xf32, #tpu.memory_space<hbm>>) target(%dma_start3A_404 : memref<8x128xf32, #tpu.memory_space<vmem>>) target_semaphore(%arg11 : memref<!tpu.dma_semaphore, #tpu.memory_space<semaphore_mem>>)
    %add3A_406 = arith.constant 24 : i32
    %add3A_407 = arith.addi %mul3A_2, %add3A_406 : i32
    %slice3A_408 = vector.extract_strided_slice %shift_left3A_223 {offsets = [14], sizes = [1], strides = [1]} : vector<16xi32> to vector<1xi32>
    %squeeze3A_409 = vector.extract %slice3A_408[0] : i32 from vector<1xi32>
    %multiple_of3A_410 = tpu.assume_multiple %squeeze3A_409, 128 : i32
    %dma_start3A_411 = arith.constant 240 : i32
    %dma_start3A_412 = arith.constant 0 : i32
    %dma_start3A_413 = tpu.memref_slice %arg7[%dma_start3A_411, %dma_start3A_412] : memref<256x128xf32, #tpu.memory_space<vmem>> -> memref<8x128xf32, #tpu.memory_space<vmem>>
    %dma_start3A_414 = tpu.memref_slice %arg2[%add3A_407, %multiple_of3A_410] : memref<1024x100000xf32, #tpu.memory_space<hbm>> -> memref<8x128xf32, #tpu.memory_space<hbm>>
    %dma_start3A_415 = arith.constant 240 : i32
    %dma_start3A_416 = arith.constant 0 : i32
    %dma_start3A_417 = tpu.memref_slice %arg7[%dma_start3A_415, %dma_start3A_416] : memref<256x128xf32, #tpu.memory_space<vmem>> -> memref<8x128xf32, #tpu.memory_space<vmem>>
    %dma_start3A_418 = tpu.memref_slice %arg2[%add3A_407, %multiple_of3A_410] : memref<1024x100000xf32, #tpu.memory_space<hbm>> -> memref<8x128xf32, #tpu.memory_space<hbm>>
    tpu.enqueue_dma source(%dma_start3A_418 : memref<8x128xf32, #tpu.memory_space<hbm>>) target(%dma_start3A_417 : memref<8x128xf32, #tpu.memory_space<vmem>>) target_semaphore(%arg11 : memref<!tpu.dma_semaphore, #tpu.memory_space<semaphore_mem>>)
    %add3A_419 = arith.constant 24 : i32
    %add3A_420 = arith.addi %mul3A_2, %add3A_419 : i32
    %slice3A_421 = vector.extract_strided_slice %shift_left3A_223 {offsets = [15], sizes = [1], strides = [1]} : vector<16xi32> to vector<1xi32>
    %squeeze3A_422 = vector.extract %slice3A_421[0] : i32 from vector<1xi32>
    %multiple_of3A_423 = tpu.assume_multiple %squeeze3A_422, 128 : i32
    %dma_start3A_424 = arith.constant 248 : i32
    %dma_start3A_425 = arith.constant 0 : i32
    %dma_start3A_426 = tpu.memref_slice %arg7[%dma_start3A_424, %dma_start3A_425] : memref<256x128xf32, #tpu.memory_space<vmem>> -> memref<8x128xf32, #tpu.memory_space<vmem>>
    %dma_start3A_427 = tpu.memref_slice %arg2[%add3A_420, %multiple_of3A_423] : memref<1024x100000xf32, #tpu.memory_space<hbm>> -> memref<8x128xf32, #tpu.memory_space<hbm>>
    %dma_start3A_428 = arith.constant 248 : i32
    %dma_start3A_429 = arith.constant 0 : i32
    %dma_start3A_430 = tpu.memref_slice %arg7[%dma_start3A_428, %dma_start3A_429] : memref<256x128xf32, #tpu.memory_space<vmem>> -> memref<8x128xf32, #tpu.memory_space<vmem>>
    %dma_start3A_431 = tpu.memref_slice %arg2[%add3A_420, %multiple_of3A_423] : memref<1024x100000xf32, #tpu.memory_space<hbm>> -> memref<8x128xf32, #tpu.memory_space<hbm>>
    tpu.enqueue_dma source(%dma_start3A_431 : memref<8x128xf32, #tpu.memory_space<hbm>>) target(%dma_start3A_430 : memref<8x128xf32, #tpu.memory_space<vmem>>) target_semaphore(%arg11 : memref<!tpu.dma_semaphore, #tpu.memory_space<semaphore_mem>>)
    %dma_wait3A = arith.constant 0 : i32
    %dma_wait3A_432 = tpu.memref_slice %arg2[%mul3A_2, %dma_wait3A] : memref<1024x100000xf32, #tpu.memory_space<hbm>> -> memref<32x128xf32, #tpu.memory_space<hbm>>
    %dma_wait3A_433 = arith.constant 0 : i32
    %dma_wait3A_434 = tpu.memref_slice %arg2[%mul3A_2, %dma_wait3A_433] : memref<1024x100000xf32, #tpu.memory_space<hbm>> -> memref<32x128xf32, #tpu.memory_space<hbm>>
    tpu.wait_dma2 semaphore(%arg11 : memref<!tpu.dma_semaphore, #tpu.memory_space<semaphore_mem>>) src(%dma_wait3A_434 : memref<32x128xf32, #tpu.memory_space<hbm>>) dst(%arg8 : memref<32x128xf32, #tpu.memory_space<vmem>>)
    %dma_wait3A_435 = arith.constant 0 : i32
    %dma_wait3A_436 = arith.constant 0 : i32
    %dma_wait3A_437 = tpu.memref_slice %arg7[%dma_wait3A_435, %dma_wait3A_436] : memref<256x128xf32, #tpu.memory_space<vmem>> -> memref<8x128xf32, #tpu.memory_space<vmem>>
    %dma_wait3A_438 = tpu.memref_slice %arg2[%add3A_12, %multiple_of3A] : memref<1024x100000xf32, #tpu.memory_space<hbm>> -> memref<8x128xf32, #tpu.memory_space<hbm>>
    %dma_wait3A_439 = arith.constant 0 : i32
    %dma_wait3A_440 = arith.constant 0 : i32
    %dma_wait3A_441 = tpu.memref_slice %arg7[%dma_wait3A_439, %dma_wait3A_440] : memref<256x128xf32, #tpu.memory_space<vmem>> -> memref<8x128xf32, #tpu.memory_space<vmem>>
    %dma_wait3A_442 = tpu.memref_slice %arg2[%add3A_12, %multiple_of3A] : memref<1024x100000xf32, #tpu.memory_space<hbm>> -> memref<8x128xf32, #tpu.memory_space<hbm>>
    tpu.wait_dma2 semaphore(%arg11 : memref<!tpu.dma_semaphore, #tpu.memory_space<semaphore_mem>>) src(%dma_wait3A_442 : memref<8x128xf32, #tpu.memory_space<hbm>>) dst(%dma_wait3A_441 : memref<8x128xf32, #tpu.memory_space<vmem>>)
    %dma_wait3A_443 = arith.constant 8 : i32
    %dma_wait3A_444 = arith.constant 0 : i32
    %dma_wait3A_445 = tpu.memref_slice %arg7[%dma_wait3A_443, %dma_wait3A_444] : memref<256x128xf32, #tpu.memory_space<vmem>> -> memref<8x128xf32, #tpu.memory_space<vmem>>
    %dma_wait3A_446 = tpu.memref_slice %arg2[%add3A_22, %multiple_of3A_25] : memref<1024x100000xf32, #tpu.memory_space<hbm>> -> memref<8x128xf32, #tpu.memory_space<hbm>>
    %dma_wait3A_447 = arith.constant 8 : i32
    %dma_wait3A_448 = arith.constant 0 : i32
    %dma_wait3A_449 = tpu.memref_slice %arg7[%dma_wait3A_447, %dma_wait3A_448] : memref<256x128xf32, #tpu.memory_space<vmem>> -> memref<8x128xf32, #tpu.memory_space<vmem>>
    %dma_wait3A_450 = tpu.memref_slice %arg2[%add3A_22, %multiple_of3A_25] : memref<1024x100000xf32, #tpu.memory_space<hbm>> -> memref<8x128xf32, #tpu.memory_space<hbm>>
    tpu.wait_dma2 semaphore(%arg11 : memref<!tpu.dma_semaphore, #tpu.memory_space<semaphore_mem>>) src(%dma_wait3A_450 : memref<8x128xf32, #tpu.memory_space<hbm>>) dst(%dma_wait3A_449 : memref<8x128xf32, #tpu.memory_space<vmem>>)
    %dma_wait3A_451 = arith.constant 16 : i32
    %dma_wait3A_452 = arith.constant 0 : i32
    %dma_wait3A_453 = tpu.memref_slice %arg7[%dma_wait3A_451, %dma_wait3A_452] : memref<256x128xf32, #tpu.memory_space<vmem>> -> memref<8x128xf32, #tpu.memory_space<vmem>>
    %dma_wait3A_454 = tpu.memref_slice %arg2[%add3A_35, %multiple_of3A_38] : memref<1024x100000xf32, #tpu.memory_space<hbm>> -> memref<8x128xf32, #tpu.memory_space<hbm>>
    %dma_wait3A_455 = arith.constant 16 : i32
    %dma_wait3A_456 = arith.constant 0 : i32
    %dma_wait3A_457 = tpu.memref_slice %arg7[%dma_wait3A_455, %dma_wait3A_456] : memref<256x128xf32, #tpu.memory_space<vmem>> -> memref<8x128xf32, #tpu.memory_space<vmem>>
    %dma_wait3A_458 = tpu.memref_slice %arg2[%add3A_35, %multiple_of3A_38] : memref<1024x100000xf32, #tpu.memory_space<hbm>> -> memref<8x128xf32, #tpu.memory_space<hbm>>
    tpu.wait_dma2 semaphore(%arg11 : memref<!tpu.dma_semaphore, #tpu.memory_space<semaphore_mem>>) src(%dma_wait3A_458 : memref<8x128xf32, #tpu.memory_space<hbm>>) dst(%dma_wait3A_457 : memref<8x128xf32, #tpu.memory_space<vmem>>)
    %dma_wait3A_459 = arith.constant 24 : i32
    %dma_wait3A_460 = arith.constant 0 : i32
    %dma_wait3A_461 = tpu.memref_slice %arg7[%dma_wait3A_459, %dma_wait3A_460] : memref<256x128xf32, #tpu.memory_space<vmem>> -> memref<8x128xf32, #tpu.memory_space<vmem>>
    %dma_wait3A_462 = tpu.memref_slice %arg2[%add3A_48, %multiple_of3A_51] : memref<1024x100000xf32, #tpu.memory_space<hbm>> -> memref<8x128xf32, #tpu.memory_space<hbm>>
    %dma_wait3A_463 = arith.constant 24 : i32
    %dma_wait3A_464 = arith.constant 0 : i32
    %dma_wait3A_465 = tpu.memref_slice %arg7[%dma_wait3A_463, %dma_wait3A_464] : memref<256x128xf32, #tpu.memory_space<vmem>> -> memref<8x128xf32, #tpu.memory_space<vmem>>
    %dma_wait3A_466 = tpu.memref_slice %arg2[%add3A_48, %multiple_of3A_51] : memref<1024x100000xf32, #tpu.memory_space<hbm>> -> memref<8x128xf32, #tpu.memory_space<hbm>>
    tpu.wait_dma2 semaphore(%arg11 : memref<!tpu.dma_semaphore, #tpu.memory_space<semaphore_mem>>) src(%dma_wait3A_466 : memref<8x128xf32, #tpu.memory_space<hbm>>) dst(%dma_wait3A_465 : memref<8x128xf32, #tpu.memory_space<vmem>>)
    %dma_wait3A_467 = arith.constant 32 : i32
    %dma_wait3A_468 = arith.constant 0 : i32
    %dma_wait3A_469 = tpu.memref_slice %arg7[%dma_wait3A_467, %dma_wait3A_468] : memref<256x128xf32, #tpu.memory_space<vmem>> -> memref<8x128xf32, #tpu.memory_space<vmem>>
    %dma_wait3A_470 = tpu.memref_slice %arg2[%add3A_61, %multiple_of3A_64] : memref<1024x100000xf32, #tpu.memory_space<hbm>> -> memref<8x128xf32, #tpu.memory_space<hbm>>
    %dma_wait3A_471 = arith.constant 32 : i32
    %dma_wait3A_472 = arith.constant 0 : i32
    %dma_wait3A_473 = tpu.memref_slice %arg7[%dma_wait3A_471, %dma_wait3A_472] : memref<256x128xf32, #tpu.memory_space<vmem>> -> memref<8x128xf32, #tpu.memory_space<vmem>>
    %dma_wait3A_474 = tpu.memref_slice %arg2[%add3A_61, %multiple_of3A_64] : memref<1024x100000xf32, #tpu.memory_space<hbm>> -> memref<8x128xf32, #tpu.memory_space<hbm>>
    tpu.wait_dma2 semaphore(%arg11 : memref<!tpu.dma_semaphore, #tpu.memory_space<semaphore_mem>>) src(%dma_wait3A_474 : memref<8x128xf32, #tpu.memory_space<hbm>>) dst(%dma_wait3A_473 : memref<8x128xf32, #tpu.memory_space<vmem>>)
    %dma_wait3A_475 = arith.constant 40 : i32
    %dma_wait3A_476 = arith.constant 0 : i32
    %dma_wait3A_477 = tpu.memref_slice %arg7[%dma_wait3A_475, %dma_wait3A_476] : memref<256x128xf32, #tpu.memory_space<vmem>> -> memref<8x128xf32, #tpu.memory_space<vmem>>
    %dma_wait3A_478 = tpu.memref_slice %arg2[%add3A_74, %multiple_of3A_77] : memref<1024x100000xf32, #tpu.memory_space<hbm>> -> memref<8x128xf32, #tpu.memory_space<hbm>>
    %dma_wait3A_479 = arith.constant 40 : i32
    %dma_wait3A_480 = arith.constant 0 : i32
    %dma_wait3A_481 = tpu.memref_slice %arg7[%dma_wait3A_479, %dma_wait3A_480] : memref<256x128xf32, #tpu.memory_space<vmem>> -> memref<8x128xf32, #tpu.memory_space<vmem>>
    %dma_wait3A_482 = tpu.memref_slice %arg2[%add3A_74, %multiple_of3A_77] : memref<1024x100000xf32, #tpu.memory_space<hbm>> -> memref<8x128xf32, #tpu.memory_space<hbm>>
    tpu.wait_dma2 semaphore(%arg11 : memref<!tpu.dma_semaphore, #tpu.memory_space<semaphore_mem>>) src(%dma_wait3A_482 : memref<8x128xf32, #tpu.memory_space<hbm>>) dst(%dma_wait3A_481 : memref<8x128xf32, #tpu.memory_space<vmem>>)
    %dma_wait3A_483 = arith.constant 48 : i32
    %dma_wait3A_484 = arith.constant 0 : i32
    %dma_wait3A_485 = tpu.memref_slice %arg7[%dma_wait3A_483, %dma_wait3A_484] : memref<256x128xf32, #tpu.memory_space<vmem>> -> memref<8x128xf32, #tpu.memory_space<vmem>>
    %dma_wait3A_486 = tpu.memref_slice %arg2[%add3A_87, %multiple_of3A_90] : memref<1024x100000xf32, #tpu.memory_space<hbm>> -> memref<8x128xf32, #tpu.memory_space<hbm>>
    %dma_wait3A_487 = arith.constant 48 : i32
    %dma_wait3A_488 = arith.constant 0 : i32
    %dma_wait3A_489 = tpu.memref_slice %arg7[%dma_wait3A_487, %dma_wait3A_488] : memref<256x128xf32, #tpu.memory_space<vmem>> -> memref<8x128xf32, #tpu.memory_space<vmem>>
    %dma_wait3A_490 = tpu.memref_slice %arg2[%add3A_87, %multiple_of3A_90] : memref<1024x100000xf32, #tpu.memory_space<hbm>> -> memref<8x128xf32, #tpu.memory_space<hbm>>
    tpu.wait_dma2 semaphore(%arg11 : memref<!tpu.dma_semaphore, #tpu.memory_space<semaphore_mem>>) src(%dma_wait3A_490 : memref<8x128xf32, #tpu.memory_space<hbm>>) dst(%dma_wait3A_489 : memref<8x128xf32, #tpu.memory_space<vmem>>)
    %dma_wait3A_491 = arith.constant 56 : i32
    %dma_wait3A_492 = arith.constant 0 : i32
    %dma_wait3A_493 = tpu.memref_slice %arg7[%dma_wait3A_491, %dma_wait3A_492] : memref<256x128xf32, #tpu.memory_space<vmem>> -> memref<8x128xf32, #tpu.memory_space<vmem>>
    %dma_wait3A_494 = tpu.memref_slice %arg2[%add3A_100, %multiple_of3A_103] : memref<1024x100000xf32, #tpu.memory_space<hbm>> -> memref<8x128xf32, #tpu.memory_space<hbm>>
    %dma_wait3A_495 = arith.constant 56 : i32
    %dma_wait3A_496 = arith.constant 0 : i32
    %dma_wait3A_497 = tpu.memref_slice %arg7[%dma_wait3A_495, %dma_wait3A_496] : memref<256x128xf32, #tpu.memory_space<vmem>> -> memref<8x128xf32, #tpu.memory_space<vmem>>
    %dma_wait3A_498 = tpu.memref_slice %arg2[%add3A_100, %multiple_of3A_103] : memref<1024x100000xf32, #tpu.memory_space<hbm>> -> memref<8x128xf32, #tpu.memory_space<hbm>>
    tpu.wait_dma2 semaphore(%arg11 : memref<!tpu.dma_semaphore, #tpu.memory_space<semaphore_mem>>) src(%dma_wait3A_498 : memref<8x128xf32, #tpu.memory_space<hbm>>) dst(%dma_wait3A_497 : memref<8x128xf32, #tpu.memory_space<vmem>>)
    %dma_wait3A_499 = arith.constant 64 : i32
    %dma_wait3A_500 = arith.constant 0 : i32
    %dma_wait3A_501 = tpu.memref_slice %arg7[%dma_wait3A_499, %dma_wait3A_500] : memref<256x128xf32, #tpu.memory_space<vmem>> -> memref<8x128xf32, #tpu.memory_space<vmem>>
    %dma_wait3A_502 = tpu.memref_slice %arg2[%add3A_113, %multiple_of3A_116] : memref<1024x100000xf32, #tpu.memory_space<hbm>> -> memref<8x128xf32, #tpu.memory_space<hbm>>
    %dma_wait3A_503 = arith.constant 64 : i32
    %dma_wait3A_504 = arith.constant 0 : i32
    %dma_wait3A_505 = tpu.memref_slice %arg7[%dma_wait3A_503, %dma_wait3A_504] : memref<256x128xf32, #tpu.memory_space<vmem>> -> memref<8x128xf32, #tpu.memory_space<vmem>>
    %dma_wait3A_506 = tpu.memref_slice %arg2[%add3A_113, %multiple_of3A_116] : memref<1024x100000xf32, #tpu.memory_space<hbm>> -> memref<8x128xf32, #tpu.memory_space<hbm>>
    tpu.wait_dma2 semaphore(%arg11 : memref<!tpu.dma_semaphore, #tpu.memory_space<semaphore_mem>>) src(%dma_wait3A_506 : memref<8x128xf32, #tpu.memory_space<hbm>>) dst(%dma_wait3A_505 : memref<8x128xf32, #tpu.memory_space<vmem>>)
    %dma_wait3A_507 = arith.constant 72 : i32
    %dma_wait3A_508 = arith.constant 0 : i32
    %dma_wait3A_509 = tpu.memref_slice %arg7[%dma_wait3A_507, %dma_wait3A_508] : memref<256x128xf32, #tpu.memory_space<vmem>> -> memref<8x128xf32, #tpu.memory_space<vmem>>
    %dma_wait3A_510 = tpu.memref_slice %arg2[%add3A_126, %multiple_of3A_129] : memref<1024x100000xf32, #tpu.memory_space<hbm>> -> memref<8x128xf32, #tpu.memory_space<hbm>>
    %dma_wait3A_511 = arith.constant 72 : i32
    %dma_wait3A_512 = arith.constant 0 : i32
    %dma_wait3A_513 = tpu.memref_slice %arg7[%dma_wait3A_511, %dma_wait3A_512] : memref<256x128xf32, #tpu.memory_space<vmem>> -> memref<8x128xf32, #tpu.memory_space<vmem>>
    %dma_wait3A_514 = tpu.memref_slice %arg2[%add3A_126, %multiple_of3A_129] : memref<1024x100000xf32, #tpu.memory_space<hbm>> -> memref<8x128xf32, #tpu.memory_space<hbm>>
    tpu.wait_dma2 semaphore(%arg11 : memref<!tpu.dma_semaphore, #tpu.memory_space<semaphore_mem>>) src(%dma_wait3A_514 : memref<8x128xf32, #tpu.memory_space<hbm>>) dst(%dma_wait3A_513 : memref<8x128xf32, #tpu.memory_space<vmem>>)
    %dma_wait3A_515 = arith.constant 80 : i32
    %dma_wait3A_516 = arith.constant 0 : i32
    %dma_wait3A_517 = tpu.memref_slice %arg7[%dma_wait3A_515, %dma_wait3A_516] : memref<256x128xf32, #tpu.memory_space<vmem>> -> memref<8x128xf32, #tpu.memory_space<vmem>>
    %dma_wait3A_518 = tpu.memref_slice %arg2[%add3A_139, %multiple_of3A_142] : memref<1024x100000xf32, #tpu.memory_space<hbm>> -> memref<8x128xf32, #tpu.memory_space<hbm>>
    %dma_wait3A_519 = arith.constant 80 : i32
    %dma_wait3A_520 = arith.constant 0 : i32
    %dma_wait3A_521 = tpu.memref_slice %arg7[%dma_wait3A_519, %dma_wait3A_520] : memref<256x128xf32, #tpu.memory_space<vmem>> -> memref<8x128xf32, #tpu.memory_space<vmem>>
    %dma_wait3A_522 = tpu.memref_slice %arg2[%add3A_139, %multiple_of3A_142] : memref<1024x100000xf32, #tpu.memory_space<hbm>> -> memref<8x128xf32, #tpu.memory_space<hbm>>
    tpu.wait_dma2 semaphore(%arg11 : memref<!tpu.dma_semaphore, #tpu.memory_space<semaphore_mem>>) src(%dma_wait3A_522 : memref<8x128xf32, #tpu.memory_space<hbm>>) dst(%dma_wait3A_521 : memref<8x128xf32, #tpu.memory_space<vmem>>)
    %dma_wait3A_523 = arith.constant 88 : i32
    %dma_wait3A_524 = arith.constant 0 : i32
    %dma_wait3A_525 = tpu.memref_slice %arg7[%dma_wait3A_523, %dma_wait3A_524] : memref<256x128xf32, #tpu.memory_space<vmem>> -> memref<8x128xf32, #tpu.memory_space<vmem>>
    %dma_wait3A_526 = tpu.memref_slice %arg2[%add3A_152, %multiple_of3A_155] : memref<1024x100000xf32, #tpu.memory_space<hbm>> -> memref<8x128xf32, #tpu.memory_space<hbm>>
    %dma_wait3A_527 = arith.constant 88 : i32
    %dma_wait3A_528 = arith.constant 0 : i32
    %dma_wait3A_529 = tpu.memref_slice %arg7[%dma_wait3A_527, %dma_wait3A_528] : memref<256x128xf32, #tpu.memory_space<vmem>> -> memref<8x128xf32, #tpu.memory_space<vmem>>
    %dma_wait3A_530 = tpu.memref_slice %arg2[%add3A_152, %multiple_of3A_155] : memref<1024x100000xf32, #tpu.memory_space<hbm>> -> memref<8x128xf32, #tpu.memory_space<hbm>>
    tpu.wait_dma2 semaphore(%arg11 : memref<!tpu.dma_semaphore, #tpu.memory_space<semaphore_mem>>) src(%dma_wait3A_530 : memref<8x128xf32, #tpu.memory_space<hbm>>) dst(%dma_wait3A_529 : memref<8x128xf32, #tpu.memory_space<vmem>>)
    %dma_wait3A_531 = arith.constant 96 : i32
    %dma_wait3A_532 = arith.constant 0 : i32
    %dma_wait3A_533 = tpu.memref_slice %arg7[%dma_wait3A_531, %dma_wait3A_532] : memref<256x128xf32, #tpu.memory_space<vmem>> -> memref<8x128xf32, #tpu.memory_space<vmem>>
    %dma_wait3A_534 = tpu.memref_slice %arg2[%add3A_165, %multiple_of3A_168] : memref<1024x100000xf32, #tpu.memory_space<hbm>> -> memref<8x128xf32, #tpu.memory_space<hbm>>
    %dma_wait3A_535 = arith.constant 96 : i32
    %dma_wait3A_536 = arith.constant 0 : i32
    %dma_wait3A_537 = tpu.memref_slice %arg7[%dma_wait3A_535, %dma_wait3A_536] : memref<256x128xf32, #tpu.memory_space<vmem>> -> memref<8x128xf32, #tpu.memory_space<vmem>>
    %dma_wait3A_538 = tpu.memref_slice %arg2[%add3A_165, %multiple_of3A_168] : memref<1024x100000xf32, #tpu.memory_space<hbm>> -> memref<8x128xf32, #tpu.memory_space<hbm>>
    tpu.wait_dma2 semaphore(%arg11 : memref<!tpu.dma_semaphore, #tpu.memory_space<semaphore_mem>>) src(%dma_wait3A_538 : memref<8x128xf32, #tpu.memory_space<hbm>>) dst(%dma_wait3A_537 : memref<8x128xf32, #tpu.memory_space<vmem>>)
    %dma_wait3A_539 = arith.constant 104 : i32
    %dma_wait3A_540 = arith.constant 0 : i32
    %dma_wait3A_541 = tpu.memref_slice %arg7[%dma_wait3A_539, %dma_wait3A_540] : memref<256x128xf32, #tpu.memory_space<vmem>> -> memref<8x128xf32, #tpu.memory_space<vmem>>
    %dma_wait3A_542 = tpu.memref_slice %arg2[%add3A_178, %multiple_of3A_181] : memref<1024x100000xf32, #tpu.memory_space<hbm>> -> memref<8x128xf32, #tpu.memory_space<hbm>>
    %dma_wait3A_543 = arith.constant 104 : i32
    %dma_wait3A_544 = arith.constant 0 : i32
    %dma_wait3A_545 = tpu.memref_slice %arg7[%dma_wait3A_543, %dma_wait3A_544] : memref<256x128xf32, #tpu.memory_space<vmem>> -> memref<8x128xf32, #tpu.memory_space<vmem>>
    %dma_wait3A_546 = tpu.memref_slice %arg2[%add3A_178, %multiple_of3A_181] : memref<1024x100000xf32, #tpu.memory_space<hbm>> -> memref<8x128xf32, #tpu.memory_space<hbm>>
    tpu.wait_dma2 semaphore(%arg11 : memref<!tpu.dma_semaphore, #tpu.memory_space<semaphore_mem>>) src(%dma_wait3A_546 : memref<8x128xf32, #tpu.memory_space<hbm>>) dst(%dma_wait3A_545 : memref<8x128xf32, #tpu.memory_space<vmem>>)
    %dma_wait3A_547 = arith.constant 112 : i32
    %dma_wait3A_548 = arith.constant 0 : i32
    %dma_wait3A_549 = tpu.memref_slice %arg7[%dma_wait3A_547, %dma_wait3A_548] : memref<256x128xf32, #tpu.memory_space<vmem>> -> memref<8x128xf32, #tpu.memory_space<vmem>>
    %dma_wait3A_550 = tpu.memref_slice %arg2[%add3A_191, %multiple_of3A_194] : memref<1024x100000xf32, #tpu.memory_space<hbm>> -> memref<8x128xf32, #tpu.memory_space<hbm>>
    %dma_wait3A_551 = arith.constant 112 : i32
    %dma_wait3A_552 = arith.constant 0 : i32
    %dma_wait3A_553 = tpu.memref_slice %arg7[%dma_wait3A_551, %dma_wait3A_552] : memref<256x128xf32, #tpu.memory_space<vmem>> -> memref<8x128xf32, #tpu.memory_space<vmem>>
    %dma_wait3A_554 = tpu.memref_slice %arg2[%add3A_191, %multiple_of3A_194] : memref<1024x100000xf32, #tpu.memory_space<hbm>> -> memref<8x128xf32, #tpu.memory_space<hbm>>
    tpu.wait_dma2 semaphore(%arg11 : memref<!tpu.dma_semaphore, #tpu.memory_space<semaphore_mem>>) src(%dma_wait3A_554 : memref<8x128xf32, #tpu.memory_space<hbm>>) dst(%dma_wait3A_553 : memref<8x128xf32, #tpu.memory_space<vmem>>)
    %dma_wait3A_555 = arith.constant 120 : i32
    %dma_wait3A_556 = arith.constant 0 : i32
    %dma_wait3A_557 = tpu.memref_slice %arg7[%dma_wait3A_555, %dma_wait3A_556] : memref<256x128xf32, #tpu.memory_space<vmem>> -> memref<8x128xf32, #tpu.memory_space<vmem>>
    %dma_wait3A_558 = tpu.memref_slice %arg2[%add3A_204, %multiple_of3A_207] : memref<1024x100000xf32, #tpu.memory_space<hbm>> -> memref<8x128xf32, #tpu.memory_space<hbm>>
    %dma_wait3A_559 = arith.constant 120 : i32
    %dma_wait3A_560 = arith.constant 0 : i32
    %dma_wait3A_561 = tpu.memref_slice %arg7[%dma_wait3A_559, %dma_wait3A_560] : memref<256x128xf32, #tpu.memory_space<vmem>> -> memref<8x128xf32, #tpu.memory_space<vmem>>
    %dma_wait3A_562 = tpu.memref_slice %arg2[%add3A_204, %multiple_of3A_207] : memref<1024x100000xf32, #tpu.memory_space<hbm>> -> memref<8x128xf32, #tpu.memory_space<hbm>>
    tpu.wait_dma2 semaphore(%arg11 : memref<!tpu.dma_semaphore, #tpu.memory_space<semaphore_mem>>) src(%dma_wait3A_562 : memref<8x128xf32, #tpu.memory_space<hbm>>) dst(%dma_wait3A_561 : memref<8x128xf32, #tpu.memory_space<vmem>>)
    %dma_wait3A_563 = arith.constant 128 : i32
    %dma_wait3A_564 = arith.constant 0 : i32
    %dma_wait3A_565 = tpu.memref_slice %arg7[%dma_wait3A_563, %dma_wait3A_564] : memref<256x128xf32, #tpu.memory_space<vmem>> -> memref<8x128xf32, #tpu.memory_space<vmem>>
    %dma_wait3A_566 = tpu.memref_slice %arg2[%add3A_225, %multiple_of3A_228] : memref<1024x100000xf32, #tpu.memory_space<hbm>> -> memref<8x128xf32, #tpu.memory_space<hbm>>
    %dma_wait3A_567 = arith.constant 128 : i32
    %dma_wait3A_568 = arith.constant 0 : i32
    %dma_wait3A_569 = tpu.memref_slice %arg7[%dma_wait3A_567, %dma_wait3A_568] : memref<256x128xf32, #tpu.memory_space<vmem>> -> memref<8x128xf32, #tpu.memory_space<vmem>>
    %dma_wait3A_570 = tpu.memref_slice %arg2[%add3A_225, %multiple_of3A_228] : memref<1024x100000xf32, #tpu.memory_space<hbm>> -> memref<8x128xf32, #tpu.memory_space<hbm>>
    tpu.wait_dma2 semaphore(%arg11 : memref<!tpu.dma_semaphore, #tpu.memory_space<semaphore_mem>>) src(%dma_wait3A_570 : memref<8x128xf32, #tpu.memory_space<hbm>>) dst(%dma_wait3A_569 : memref<8x128xf32, #tpu.memory_space<vmem>>)
    %dma_wait3A_571 = arith.constant 136 : i32
    %dma_wait3A_572 = arith.constant 0 : i32
    %dma_wait3A_573 = tpu.memref_slice %arg7[%dma_wait3A_571, %dma_wait3A_572] : memref<256x128xf32, #tpu.memory_space<vmem>> -> memref<8x128xf32, #tpu.memory_space<vmem>>
    %dma_wait3A_574 = tpu.memref_slice %arg2[%add3A_238, %multiple_of3A_241] : memref<1024x100000xf32, #tpu.memory_space<hbm>> -> memref<8x128xf32, #tpu.memory_space<hbm>>
    %dma_wait3A_575 = arith.constant 136 : i32
    %dma_wait3A_576 = arith.constant 0 : i32
    %dma_wait3A_577 = tpu.memref_slice %arg7[%dma_wait3A_575, %dma_wait3A_576] : memref<256x128xf32, #tpu.memory_space<vmem>> -> memref<8x128xf32, #tpu.memory_space<vmem>>
    %dma_wait3A_578 = tpu.memref_slice %arg2[%add3A_238, %multiple_of3A_241] : memref<1024x100000xf32, #tpu.memory_space<hbm>> -> memref<8x128xf32, #tpu.memory_space<hbm>>
    tpu.wait_dma2 semaphore(%arg11 : memref<!tpu.dma_semaphore, #tpu.memory_space<semaphore_mem>>) src(%dma_wait3A_578 : memref<8x128xf32, #tpu.memory_space<hbm>>) dst(%dma_wait3A_577 : memref<8x128xf32, #tpu.memory_space<vmem>>)
    %dma_wait3A_579 = arith.constant 144 : i32
    %dma_wait3A_580 = arith.constant 0 : i32
    %dma_wait3A_581 = tpu.memref_slice %arg7[%dma_wait3A_579, %dma_wait3A_580] : memref<256x128xf32, #tpu.memory_space<vmem>> -> memref<8x128xf32, #tpu.memory_space<vmem>>
    %dma_wait3A_582 = tpu.memref_slice %arg2[%add3A_251, %multiple_of3A_254] : memref<1024x100000xf32, #tpu.memory_space<hbm>> -> memref<8x128xf32, #tpu.memory_space<hbm>>
    %dma_wait3A_583 = arith.constant 144 : i32
    %dma_wait3A_584 = arith.constant 0 : i32
    %dma_wait3A_585 = tpu.memref_slice %arg7[%dma_wait3A_583, %dma_wait3A_584] : memref<256x128xf32, #tpu.memory_space<vmem>> -> memref<8x128xf32, #tpu.memory_space<vmem>>
    %dma_wait3A_586 = tpu.memref_slice %arg2[%add3A_251, %multiple_of3A_254] : memref<1024x100000xf32, #tpu.memory_space<hbm>> -> memref<8x128xf32, #tpu.memory_space<hbm>>
    tpu.wait_dma2 semaphore(%arg11 : memref<!tpu.dma_semaphore, #tpu.memory_space<semaphore_mem>>) src(%dma_wait3A_586 : memref<8x128xf32, #tpu.memory_space<hbm>>) dst(%dma_wait3A_585 : memref<8x128xf32, #tpu.memory_space<vmem>>)
    %dma_wait3A_587 = arith.constant 152 : i32
    %dma_wait3A_588 = arith.constant 0 : i32
    %dma_wait3A_589 = tpu.memref_slice %arg7[%dma_wait3A_587, %dma_wait3A_588] : memref<256x128xf32, #tpu.memory_space<vmem>> -> memref<8x128xf32, #tpu.memory_space<vmem>>
    %dma_wait3A_590 = tpu.memref_slice %arg2[%add3A_264, %multiple_of3A_267] : memref<1024x100000xf32, #tpu.memory_space<hbm>> -> memref<8x128xf32, #tpu.memory_space<hbm>>
    %dma_wait3A_591 = arith.constant 152 : i32
    %dma_wait3A_592 = arith.constant 0 : i32
    %dma_wait3A_593 = tpu.memref_slice %arg7[%dma_wait3A_591, %dma_wait3A_592] : memref<256x128xf32, #tpu.memory_space<vmem>> -> memref<8x128xf32, #tpu.memory_space<vmem>>
    %dma_wait3A_594 = tpu.memref_slice %arg2[%add3A_264, %multiple_of3A_267] : memref<1024x100000xf32, #tpu.memory_space<hbm>> -> memref<8x128xf32, #tpu.memory_space<hbm>>
    tpu.wait_dma2 semaphore(%arg11 : memref<!tpu.dma_semaphore, #tpu.memory_space<semaphore_mem>>) src(%dma_wait3A_594 : memref<8x128xf32, #tpu.memory_space<hbm>>) dst(%dma_wait3A_593 : memref<8x128xf32, #tpu.memory_space<vmem>>)
    %dma_wait3A_595 = arith.constant 160 : i32
    %dma_wait3A_596 = arith.constant 0 : i32
    %dma_wait3A_597 = tpu.memref_slice %arg7[%dma_wait3A_595, %dma_wait3A_596] : memref<256x128xf32, #tpu.memory_space<vmem>> -> memref<8x128xf32, #tpu.memory_space<vmem>>
    %dma_wait3A_598 = tpu.memref_slice %arg2[%add3A_277, %multiple_of3A_280] : memref<1024x100000xf32, #tpu.memory_space<hbm>> -> memref<8x128xf32, #tpu.memory_space<hbm>>
    %dma_wait3A_599 = arith.constant 160 : i32
    %dma_wait3A_600 = arith.constant 0 : i32
    %dma_wait3A_601 = tpu.memref_slice %arg7[%dma_wait3A_599, %dma_wait3A_600] : memref<256x128xf32, #tpu.memory_space<vmem>> -> memref<8x128xf32, #tpu.memory_space<vmem>>
    %dma_wait3A_602 = tpu.memref_slice %arg2[%add3A_277, %multiple_of3A_280] : memref<1024x100000xf32, #tpu.memory_space<hbm>> -> memref<8x128xf32, #tpu.memory_space<hbm>>
    tpu.wait_dma2 semaphore(%arg11 : memref<!tpu.dma_semaphore, #tpu.memory_space<semaphore_mem>>) src(%dma_wait3A_602 : memref<8x128xf32, #tpu.memory_space<hbm>>) dst(%dma_wait3A_601 : memref<8x128xf32, #tpu.memory_space<vmem>>)
    %dma_wait3A_603 = arith.constant 168 : i32
    %dma_wait3A_604 = arith.constant 0 : i32
    %dma_wait3A_605 = tpu.memref_slice %arg7[%dma_wait3A_603, %dma_wait3A_604] : memref<256x128xf32, #tpu.memory_space<vmem>> -> memref<8x128xf32, #tpu.memory_space<vmem>>
    %dma_wait3A_606 = tpu.memref_slice %arg2[%add3A_290, %multiple_of3A_293] : memref<1024x100000xf32, #tpu.memory_space<hbm>> -> memref<8x128xf32, #tpu.memory_space<hbm>>
    %dma_wait3A_607 = arith.constant 168 : i32
    %dma_wait3A_608 = arith.constant 0 : i32
    %dma_wait3A_609 = tpu.memref_slice %arg7[%dma_wait3A_607, %dma_wait3A_608] : memref<256x128xf32, #tpu.memory_space<vmem>> -> memref<8x128xf32, #tpu.memory_space<vmem>>
    %dma_wait3A_610 = tpu.memref_slice %arg2[%add3A_290, %multiple_of3A_293] : memref<1024x100000xf32, #tpu.memory_space<hbm>> -> memref<8x128xf32, #tpu.memory_space<hbm>>
    tpu.wait_dma2 semaphore(%arg11 : memref<!tpu.dma_semaphore, #tpu.memory_space<semaphore_mem>>) src(%dma_wait3A_610 : memref<8x128xf32, #tpu.memory_space<hbm>>) dst(%dma_wait3A_609 : memref<8x128xf32, #tpu.memory_space<vmem>>)
    %dma_wait3A_611 = arith.constant 176 : i32
    %dma_wait3A_612 = arith.constant 0 : i32
    %dma_wait3A_613 = tpu.memref_slice %arg7[%dma_wait3A_611, %dma_wait3A_612] : memref<256x128xf32, #tpu.memory_space<vmem>> -> memref<8x128xf32, #tpu.memory_space<vmem>>
    %dma_wait3A_614 = tpu.memref_slice %arg2[%add3A_303, %multiple_of3A_306] : memref<1024x100000xf32, #tpu.memory_space<hbm>> -> memref<8x128xf32, #tpu.memory_space<hbm>>
    %dma_wait3A_615 = arith.constant 176 : i32
    %dma_wait3A_616 = arith.constant 0 : i32
    %dma_wait3A_617 = tpu.memref_slice %arg7[%dma_wait3A_615, %dma_wait3A_616] : memref<256x128xf32, #tpu.memory_space<vmem>> -> memref<8x128xf32, #tpu.memory_space<vmem>>
    %dma_wait3A_618 = tpu.memref_slice %arg2[%add3A_303, %multiple_of3A_306] : memref<1024x100000xf32, #tpu.memory_space<hbm>> -> memref<8x128xf32, #tpu.memory_space<hbm>>
    tpu.wait_dma2 semaphore(%arg11 : memref<!tpu.dma_semaphore, #tpu.memory_space<semaphore_mem>>) src(%dma_wait3A_618 : memref<8x128xf32, #tpu.memory_space<hbm>>) dst(%dma_wait3A_617 : memref<8x128xf32, #tpu.memory_space<vmem>>)
    %dma_wait3A_619 = arith.constant 184 : i32
    %dma_wait3A_620 = arith.constant 0 : i32
    %dma_wait3A_621 = tpu.memref_slice %arg7[%dma_wait3A_619, %dma_wait3A_620] : memref<256x128xf32, #tpu.memory_space<vmem>> -> memref<8x128xf32, #tpu.memory_space<vmem>>
    %dma_wait3A_622 = tpu.memref_slice %arg2[%add3A_316, %multiple_of3A_319] : memref<1024x100000xf32, #tpu.memory_space<hbm>> -> memref<8x128xf32, #tpu.memory_space<hbm>>
    %dma_wait3A_623 = arith.constant 184 : i32
    %dma_wait3A_624 = arith.constant 0 : i32
    %dma_wait3A_625 = tpu.memref_slice %arg7[%dma_wait3A_623, %dma_wait3A_624] : memref<256x128xf32, #tpu.memory_space<vmem>> -> memref<8x128xf32, #tpu.memory_space<vmem>>
    %dma_wait3A_626 = tpu.memref_slice %arg2[%add3A_316, %multiple_of3A_319] : memref<1024x100000xf32, #tpu.memory_space<hbm>> -> memref<8x128xf32, #tpu.memory_space<hbm>>
    tpu.wait_dma2 semaphore(%arg11 : memref<!tpu.dma_semaphore, #tpu.memory_space<semaphore_mem>>) src(%dma_wait3A_626 : memref<8x128xf32, #tpu.memory_space<hbm>>) dst(%dma_wait3A_625 : memref<8x128xf32, #tpu.memory_space<vmem>>)
    %dma_wait3A_627 = arith.constant 192 : i32
    %dma_wait3A_628 = arith.constant 0 : i32
    %dma_wait3A_629 = tpu.memref_slice %arg7[%dma_wait3A_627, %dma_wait3A_628] : memref<256x128xf32, #tpu.memory_space<vmem>> -> memref<8x128xf32, #tpu.memory_space<vmem>>
    %dma_wait3A_630 = tpu.memref_slice %arg2[%add3A_329, %multiple_of3A_332] : memref<1024x100000xf32, #tpu.memory_space<hbm>> -> memref<8x128xf32, #tpu.memory_space<hbm>>
    %dma_wait3A_631 = arith.constant 192 : i32
    %dma_wait3A_632 = arith.constant 0 : i32
    %dma_wait3A_633 = tpu.memref_slice %arg7[%dma_wait3A_631, %dma_wait3A_632] : memref<256x128xf32, #tpu.memory_space<vmem>> -> memref<8x128xf32, #tpu.memory_space<vmem>>
    %dma_wait3A_634 = tpu.memref_slice %arg2[%add3A_329, %multiple_of3A_332] : memref<1024x100000xf32, #tpu.memory_space<hbm>> -> memref<8x128xf32, #tpu.memory_space<hbm>>
    tpu.wait_dma2 semaphore(%arg11 : memref<!tpu.dma_semaphore, #tpu.memory_space<semaphore_mem>>) src(%dma_wait3A_634 : memref<8x128xf32, #tpu.memory_space<hbm>>) dst(%dma_wait3A_633 : memref<8x128xf32, #tpu.memory_space<vmem>>)
    %dma_wait3A_635 = arith.constant 200 : i32
    %dma_wait3A_636 = arith.constant 0 : i32
    %dma_wait3A_637 = tpu.memref_slice %arg7[%dma_wait3A_635, %dma_wait3A_636] : memref<256x128xf32, #tpu.memory_space<vmem>> -> memref<8x128xf32, #tpu.memory_space<vmem>>
    %dma_wait3A_638 = tpu.memref_slice %arg2[%add3A_342, %multiple_of3A_345] : memref<1024x100000xf32, #tpu.memory_space<hbm>> -> memref<8x128xf32, #tpu.memory_space<hbm>>
    %dma_wait3A_639 = arith.constant 200 : i32
    %dma_wait3A_640 = arith.constant 0 : i32
    %dma_wait3A_641 = tpu.memref_slice %arg7[%dma_wait3A_639, %dma_wait3A_640] : memref<256x128xf32, #tpu.memory_space<vmem>> -> memref<8x128xf32, #tpu.memory_space<vmem>>
    %dma_wait3A_642 = tpu.memref_slice %arg2[%add3A_342, %multiple_of3A_345] : memref<1024x100000xf32, #tpu.memory_space<hbm>> -> memref<8x128xf32, #tpu.memory_space<hbm>>
    tpu.wait_dma2 semaphore(%arg11 : memref<!tpu.dma_semaphore, #tpu.memory_space<semaphore_mem>>) src(%dma_wait3A_642 : memref<8x128xf32, #tpu.memory_space<hbm>>) dst(%dma_wait3A_641 : memref<8x128xf32, #tpu.memory_space<vmem>>)
    %dma_wait3A_643 = arith.constant 208 : i32
    %dma_wait3A_644 = arith.constant 0 : i32
    %dma_wait3A_645 = tpu.memref_slice %arg7[%dma_wait3A_643, %dma_wait3A_644] : memref<256x128xf32, #tpu.memory_space<vmem>> -> memref<8x128xf32, #tpu.memory_space<vmem>>
    %dma_wait3A_646 = tpu.memref_slice %arg2[%add3A_355, %multiple_of3A_358] : memref<1024x100000xf32, #tpu.memory_space<hbm>> -> memref<8x128xf32, #tpu.memory_space<hbm>>
    %dma_wait3A_647 = arith.constant 208 : i32
    %dma_wait3A_648 = arith.constant 0 : i32
    %dma_wait3A_649 = tpu.memref_slice %arg7[%dma_wait3A_647, %dma_wait3A_648] : memref<256x128xf32, #tpu.memory_space<vmem>> -> memref<8x128xf32, #tpu.memory_space<vmem>>
    %dma_wait3A_650 = tpu.memref_slice %arg2[%add3A_355, %multiple_of3A_358] : memref<1024x100000xf32, #tpu.memory_space<hbm>> -> memref<8x128xf32, #tpu.memory_space<hbm>>
    tpu.wait_dma2 semaphore(%arg11 : memref<!tpu.dma_semaphore, #tpu.memory_space<semaphore_mem>>) src(%dma_wait3A_650 : memref<8x128xf32, #tpu.memory_space<hbm>>) dst(%dma_wait3A_649 : memref<8x128xf32, #tpu.memory_space<vmem>>)
    %dma_wait3A_651 = arith.constant 216 : i32
    %dma_wait3A_652 = arith.constant 0 : i32
    %dma_wait3A_653 = tpu.memref_slice %arg7[%dma_wait3A_651, %dma_wait3A_652] : memref<256x128xf32, #tpu.memory_space<vmem>> -> memref<8x128xf32, #tpu.memory_space<vmem>>
    %dma_wait3A_654 = tpu.memref_slice %arg2[%add3A_368, %multiple_of3A_371] : memref<1024x100000xf32, #tpu.memory_space<hbm>> -> memref<8x128xf32, #tpu.memory_space<hbm>>
    %dma_wait3A_655 = arith.constant 216 : i32
    %dma_wait3A_656 = arith.constant 0 : i32
    %dma_wait3A_657 = tpu.memref_slice %arg7[%dma_wait3A_655, %dma_wait3A_656] : memref<256x128xf32, #tpu.memory_space<vmem>> -> memref<8x128xf32, #tpu.memory_space<vmem>>
    %dma_wait3A_658 = tpu.memref_slice %arg2[%add3A_368, %multiple_of3A_371] : memref<1024x100000xf32, #tpu.memory_space<hbm>> -> memref<8x128xf32, #tpu.memory_space<hbm>>
    tpu.wait_dma2 semaphore(%arg11 : memref<!tpu.dma_semaphore, #tpu.memory_space<semaphore_mem>>) src(%dma_wait3A_658 : memref<8x128xf32, #tpu.memory_space<hbm>>) dst(%dma_wait3A_657 : memref<8x128xf32, #tpu.memory_space<vmem>>)
    %dma_wait3A_659 = arith.constant 224 : i32
    %dma_wait3A_660 = arith.constant 0 : i32
    %dma_wait3A_661 = tpu.memref_slice %arg7[%dma_wait3A_659, %dma_wait3A_660] : memref<256x128xf32, #tpu.memory_space<vmem>> -> memref<8x128xf32, #tpu.memory_space<vmem>>
    %dma_wait3A_662 = tpu.memref_slice %arg2[%add3A_381, %multiple_of3A_384] : memref<1024x100000xf32, #tpu.memory_space<hbm>> -> memref<8x128xf32, #tpu.memory_space<hbm>>
    %dma_wait3A_663 = arith.constant 224 : i32
    %dma_wait3A_664 = arith.constant 0 : i32
    %dma_wait3A_665 = tpu.memref_slice %arg7[%dma_wait3A_663, %dma_wait3A_664] : memref<256x128xf32, #tpu.memory_space<vmem>> -> memref<8x128xf32, #tpu.memory_space<vmem>>
    %dma_wait3A_666 = tpu.memref_slice %arg2[%add3A_381, %multiple_of3A_384] : memref<1024x100000xf32, #tpu.memory_space<hbm>> -> memref<8x128xf32, #tpu.memory_space<hbm>>
    tpu.wait_dma2 semaphore(%arg11 : memref<!tpu.dma_semaphore, #tpu.memory_space<semaphore_mem>>) src(%dma_wait3A_666 : memref<8x128xf32, #tpu.memory_space<hbm>>) dst(%dma_wait3A_665 : memref<8x128xf32, #tpu.memory_space<vmem>>)
    %dma_wait3A_667 = arith.constant 232 : i32
    %dma_wait3A_668 = arith.constant 0 : i32
    %dma_wait3A_669 = tpu.memref_slice %arg7[%dma_wait3A_667, %dma_wait3A_668] : memref<256x128xf32, #tpu.memory_space<vmem>> -> memref<8x128xf32, #tpu.memory_space<vmem>>
    %dma_wait3A_670 = tpu.memref_slice %arg2[%add3A_394, %multiple_of3A_397] : memref<1024x100000xf32, #tpu.memory_space<hbm>> -> memref<8x128xf32, #tpu.memory_space<hbm>>
    %dma_wait3A_671 = arith.constant 232 : i32
    %dma_wait3A_672 = arith.constant 0 : i32
    %dma_wait3A_673 = tpu.memref_slice %arg7[%dma_wait3A_671, %dma_wait3A_672] : memref<256x128xf32, #tpu.memory_space<vmem>> -> memref<8x128xf32, #tpu.memory_space<vmem>>
    %dma_wait3A_674 = tpu.memref_slice %arg2[%add3A_394, %multiple_of3A_397] : memref<1024x100000xf32, #tpu.memory_space<hbm>> -> memref<8x128xf32, #tpu.memory_space<hbm>>
    tpu.wait_dma2 semaphore(%arg11 : memref<!tpu.dma_semaphore, #tpu.memory_space<semaphore_mem>>) src(%dma_wait3A_674 : memref<8x128xf32, #tpu.memory_space<hbm>>) dst(%dma_wait3A_673 : memref<8x128xf32, #tpu.memory_space<vmem>>)
    %dma_wait3A_675 = arith.constant 240 : i32
    %dma_wait3A_676 = arith.constant 0 : i32
    %dma_wait3A_677 = tpu.memref_slice %arg7[%dma_wait3A_675, %dma_wait3A_676] : memref<256x128xf32, #tpu.memory_space<vmem>> -> memref<8x128xf32, #tpu.memory_space<vmem>>
    %dma_wait3A_678 = tpu.memref_slice %arg2[%add3A_407, %multiple_of3A_410] : memref<1024x100000xf32, #tpu.memory_space<hbm>> -> memref<8x128xf32, #tpu.memory_space<hbm>>
    %dma_wait3A_679 = arith.constant 240 : i32
    %dma_wait3A_680 = arith.constant 0 : i32
    %dma_wait3A_681 = tpu.memref_slice %arg7[%dma_wait3A_679, %dma_wait3A_680] : memref<256x128xf32, #tpu.memory_space<vmem>> -> memref<8x128xf32, #tpu.memory_space<vmem>>
    %dma_wait3A_682 = tpu.memref_slice %arg2[%add3A_407, %multiple_of3A_410] : memref<1024x100000xf32, #tpu.memory_space<hbm>> -> memref<8x128xf32, #tpu.memory_space<hbm>>
    tpu.wait_dma2 semaphore(%arg11 : memref<!tpu.dma_semaphore, #tpu.memory_space<semaphore_mem>>) src(%dma_wait3A_682 : memref<8x128xf32, #tpu.memory_space<hbm>>) dst(%dma_wait3A_681 : memref<8x128xf32, #tpu.memory_space<vmem>>)
    %dma_wait3A_683 = arith.constant 248 : i32
    %dma_wait3A_684 = arith.constant 0 : i32
    %dma_wait3A_685 = tpu.memref_slice %arg7[%dma_wait3A_683, %dma_wait3A_684] : memref<256x128xf32, #tpu.memory_space<vmem>> -> memref<8x128xf32, #tpu.memory_space<vmem>>
    %dma_wait3A_686 = tpu.memref_slice %arg2[%add3A_420, %multiple_of3A_423] : memref<1024x100000xf32, #tpu.memory_space<hbm>> -> memref<8x128xf32, #tpu.memory_space<hbm>>
    %dma_wait3A_687 = arith.constant 248 : i32
    %dma_wait3A_688 = arith.constant 0 : i32
    %dma_wait3A_689 = tpu.memref_slice %arg7[%dma_wait3A_687, %dma_wait3A_688] : memref<256x128xf32, #tpu.memory_space<vmem>> -> memref<8x128xf32, #tpu.memory_space<vmem>>
    %dma_wait3A_690 = tpu.memref_slice %arg2[%add3A_420, %multiple_of3A_423] : memref<1024x100000xf32, #tpu.memory_space<hbm>> -> memref<8x128xf32, #tpu.memory_space<hbm>>
    tpu.wait_dma2 semaphore(%arg11 : memref<!tpu.dma_semaphore, #tpu.memory_space<semaphore_mem>>) src(%dma_wait3A_690 : memref<8x128xf32, #tpu.memory_space<hbm>>) dst(%dma_wait3A_689 : memref<8x128xf32, #tpu.memory_space<vmem>>)
    %iota3A = tpu.iota {dimensions = array<i32: 0>} : vector<16xi32>
    %add3A_691 = arith.constant 0 : i32
    %add3A_692 = vector.broadcast %add3A_691 : i32 to vector<16xi32>
    %add3A_693 = arith.addi %add3A_692, %iota3A : vector<16xi32>
    %get3A_694 = arith.constant 0 : index
    %get3A_695 = tpu.vector_load %arg6[%get3A_694] {strides = array<i32>} : memref<32xi32, #tpu.memory_space<vmem>>, vector<16xi32>,
    %mul3A_696 = arith.constant 8 : i32
    %mul3A_697 = vector.broadcast %mul3A_696 : i32 to vector<16xi32>
    %mul3A_698 = arith.muli %add3A_693, %mul3A_697 : vector<16xi32>
    %add3A_699 = vector.broadcast %mul3A_2 : i32 to vector<16xi32>
    %add3A_700 = arith.addi %add3A_699, %add3A_693 : vector<16xi32>
    %and3A = arith.constant 7 : i32
    %and3A_701 = vector.broadcast %and3A : i32 to vector<16xi32>
    %and3A_702 = arith.andi %add3A_700, %and3A_701 : vector<16xi32>
    %add3A_703 = arith.addi %mul3A_698, %and3A_702 : vector<16xi32>
    %and3A_704 = arith.constant 127 : i32
    %and3A_705 = vector.broadcast %and3A_704 : i32 to vector<16xi32>
    %and3A_706 = arith.andi %get3A_695, %and3A_705 : vector<16xi32>
    %gather3A = tpu.vector_load_idx %arg7[%add3A_703, %and3A_706] : memref<256x128xf32, #tpu.memory_space<vmem>>[vector<16xi32>, vector<16xi32>], vector<16xf32>,
    %swap3A = arith.constant 0 : index
    %swap3A_707 = tpu.vector_load %arg9[%swap3A] {strides = array<i32>} : memref<32xf32, #tpu.memory_space<vmem>>, vector<16xf32>,
    tpu.vector_store %arg9[%swap3A], %gather3A {strides = array<i32>} : memref<32xf32, #tpu.memory_space<vmem>>, vector<16xf32>,
    %mul3A_708 = arith.constant 0 : i32
    %mul3A_709 = vector.broadcast %mul3A_708 : i32 to vector<16xi32>
    %mul3A_710 = arith.muli %iota3A, %mul3A_709 : vector<16xi32>
    %gather3A_711 = tpu.vector_load_idx %arg8[%add3A_693, %mul3A_710] : memref<32x128xf32, #tpu.memory_space<vmem>>[vector<16xi32>, vector<16xi32>], vector<16xf32>,
    %swap3A_712 = arith.constant 0 : index
    %swap3A_713 = tpu.vector_load %arg10[%swap3A_712] {strides = array<i32>} : memref<32xf32, #tpu.memory_space<vmem>>, vector<16xf32>,
    tpu.vector_store %arg10[%swap3A_712], %gather3A_711 {strides = array<i32>} : memref<32xf32, #tpu.memory_space<vmem>>, vector<16xf32>,
    %add3A_714 = arith.constant 16 : i32
    %add3A_715 = vector.broadcast %add3A_714 : i32 to vector<16xi32>
    %add3A_716 = arith.addi %add3A_715, %iota3A : vector<16xi32>
    %get3A_717 = arith.constant 16 : index
    %get3A_718 = tpu.vector_load %arg6[%get3A_717] {strides = array<i32>} : memref<32xi32, #tpu.memory_space<vmem>>, vector<16xi32>,
    %mul3A_719 = arith.constant 8 : i32
    %mul3A_720 = vector.broadcast %mul3A_719 : i32 to vector<16xi32>
    %mul3A_721 = arith.muli %add3A_716, %mul3A_720 : vector<16xi32>
    %add3A_722 = vector.broadcast %mul3A_2 : i32 to vector<16xi32>
    %add3A_723 = arith.addi %add3A_722, %add3A_716 : vector<16xi32>
    %and3A_724 = arith.constant 7 : i32
    %and3A_725 = vector.broadcast %and3A_724 : i32 to vector<16xi32>
    %and3A_726 = arith.andi %add3A_723, %and3A_725 : vector<16xi32>
    %add3A_727 = arith.addi %mul3A_721, %and3A_726 : vector<16xi32>
    %and3A_728 = arith.constant 127 : i32
    %and3A_729 = vector.broadcast %and3A_728 : i32 to vector<16xi32>
    %and3A_730 = arith.andi %get3A_718, %and3A_729 : vector<16xi32>
    %gather3A_731 = tpu.vector_load_idx %arg7[%add3A_727, %and3A_730] : memref<256x128xf32, #tpu.memory_space<vmem>>[vector<16xi32>, vector<16xi32>], vector<16xf32>,
    %swap3A_732 = arith.constant 16 : index
    %swap3A_733 = tpu.vector_load %arg9[%swap3A_732] {strides = array<i32>} : memref<32xf32, #tpu.memory_space<vmem>>, vector<16xf32>,
    tpu.vector_store %arg9[%swap3A_732], %gather3A_731 {strides = array<i32>} : memref<32xf32, #tpu.memory_space<vmem>>, vector<16xf32>,
    %mul3A_734 = arith.constant 0 : i32
    %mul3A_735 = vector.broadcast %mul3A_734 : i32 to vector<16xi32>
    %mul3A_736 = arith.muli %iota3A, %mul3A_735 : vector<16xi32>
    %gather3A_737 = tpu.vector_load_idx %arg8[%add3A_716, %mul3A_736] : memref<32x128xf32, #tpu.memory_space<vmem>>[vector<16xi32>, vector<16xi32>], vector<16xf32>,
    %swap3A_738 = arith.constant 16 : index
    %swap3A_739 = tpu.vector_load %arg10[%swap3A_738] {strides = array<i32>} : memref<32xf32, #tpu.memory_space<vmem>>, vector<16xf32>,
    tpu.vector_store %arg10[%swap3A_738], %gather3A_737 {strides = array<i32>} : memref<32xf32, #tpu.memory_space<vmem>>, vector<16xf32>,
    "tpu.region"() ({
      %run_scoped3A = tpu.sem_alloc : memref<!tpu.dma_semaphore, #tpu.memory_space<semaphore_mem>>
      %dma_start3A_740 = tpu.memref_slice %arg4[%mul3A_2] : memref<1024xf32, #tpu.memory_space<hbm>> -> memref<32xf32, #tpu.memory_space<hbm>>
      %dma_start3A_741 = tpu.memref_slice %arg4[%mul3A_2] : memref<1024xf32, #tpu.memory_space<hbm>> -> memref<32xf32, #tpu.memory_space<hbm>>
      tpu.enqueue_dma source(%arg9 : memref<32xf32, #tpu.memory_space<vmem>>) target(%dma_start3A_741 : memref<32xf32, #tpu.memory_space<hbm>>) target_semaphore(%run_scoped3A : memref<!tpu.dma_semaphore, #tpu.memory_space<semaphore_mem>>)
      %dma_wait3A_742 = tpu.memref_slice %arg4[%mul3A_2] : memref<1024xf32, #tpu.memory_space<hbm>> -> memref<32xf32, #tpu.memory_space<hbm>>
      %dma_wait3A_743 = tpu.memref_slice %arg4[%mul3A_2] : memref<1024xf32, #tpu.memory_space<hbm>> -> memref<32xf32, #tpu.memory_space<hbm>>
      tpu.wait_dma2 semaphore(%run_scoped3A : memref<!tpu.dma_semaphore, #tpu.memory_space<semaphore_mem>>) src(%arg9 : memref<32xf32, #tpu.memory_space<vmem>>) dst(%dma_wait3A_743 : memref<32xf32, #tpu.memory_space<hbm>>)
      tpu.yield
    }) : () -> ()
    "tpu.region"() ({
      %run_scoped3A = tpu.sem_alloc : memref<!tpu.dma_semaphore, #tpu.memory_space<semaphore_mem>>
      %dma_start3A_740 = tpu.memref_slice %arg5[%mul3A_2] : memref<1024xf32, #tpu.memory_space<hbm>> -> memref<32xf32, #tpu.memory_space<hbm>>
      %dma_start3A_741 = tpu.memref_slice %arg5[%mul3A_2] : memref<1024xf32, #tpu.memory_space<hbm>> -> memref<32xf32, #tpu.memory_space<hbm>>
      tpu.enqueue_dma source(%arg10 : memref<32xf32, #tpu.memory_space<vmem>>) target(%dma_start3A_741 : memref<32xf32, #tpu.memory_space<hbm>>) target_semaphore(%run_scoped3A : memref<!tpu.dma_semaphore, #tpu.memory_space<semaphore_mem>>)
      %dma_wait3A_742 = tpu.memref_slice %arg5[%mul3A_2] : memref<1024xf32, #tpu.memory_space<hbm>> -> memref<32xf32, #tpu.memory_space<hbm>>
      %dma_wait3A_743 = tpu.memref_slice %arg5[%mul3A_2] : memref<1024xf32, #tpu.memory_space<hbm>> -> memref<32xf32, #tpu.memory_space<hbm>>
      tpu.wait_dma2 semaphore(%run_scoped3A : memref<!tpu.dma_semaphore, #tpu.memory_space<semaphore_mem>>) src(%arg10 : memref<32xf32, #tpu.memory_space<vmem>>) dst(%dma_wait3A_743 : memref<32xf32, #tpu.memory_space<hbm>>)
      tpu.yield
    }) : () -> ()
    return
  }
}

module attributes {stable_mosaic.version = 14 : i64} {
  func.func @_body(%arg0: i32, %arg1: memref<1024x1xi32, #tpu.memory_space<vmem>>, %arg2: memref<1024x1xf32, #tpu.memory_space<vmem>>, %arg3: memref<1024x1xf32, #tpu.memory_space<vmem>>, %arg4: memref<1024x2048xf32, #tpu.memory_space<vmem>>, %arg5: memref<1x1xf32, #tpu.memory_space<smem>>, %arg6: memref<1024x128xf32, #tpu.memory_space<vmem>>) attributes {dimension_semantics = [#tpu.dimension_semantics<arbitrary>], iteration_bounds = array<i64: 49>, scalar_prefetch = 0 : i64, scratch_operands = 1 : i64, tpu.core_type = #tpu.core_type<tc>, window_params = [{pipeline_mode = #tpu.pipeline_mode<synchronous>, transform_indices = @transform_0, window_bounds = array<i64: 1024, 1>}, {pipeline_mode = #tpu.pipeline_mode<synchronous>, transform_indices = @transform_1, window_bounds = array<i64: 1024, 1>}, {pipeline_mode = #tpu.pipeline_mode<synchronous>, transform_indices = @transform_2, window_bounds = array<i64: 1024, 1>}, {transform_indices = @transform_3, window_bounds = array<i64: 1024, 2048>}, {transform_indices = @transform_4, window_bounds = array<i64: 1, 1>}]} {
    %get3A = arith.constant 0 : index
    %get3A_0 = arith.constant 0 : index
    %get3A_1 = vector.load %arg4[%get3A, %get3A_0] : memref<1024x2048xf32, #tpu.memory_space<vmem>>, vector<1024x2048xf32>
    %eq3A = arith.constant 0 : i32
    %eq3A_2 = arith.cmpi eq, %arg0, %eq3A : i32
    %convert_element_type3A = arith.extui %eq3A_2 : i1 to i32
    %cond3A = arith.constant 0 : i32
    %cond3A_3 = arith.cmpi ne, %convert_element_type3A, %cond3A : i32
    scf.if %cond3A_3 {
      %slice3A = vector.extract_strided_slice %get3A_1 {offsets = [0, 0], sizes = [1024, 128], strides = [1, 1]} : vector<1024x2048xf32> to vector<1024x128xf32>
      %slice3A_14 = vector.extract_strided_slice %get3A_1 {offsets = [0, 128], sizes = [1024, 128], strides = [1, 1]} : vector<1024x2048xf32> to vector<1024x128xf32>
      %slice3A_15 = vector.extract_strided_slice %get3A_1 {offsets = [0, 256], sizes = [1024, 128], strides = [1, 1]} : vector<1024x2048xf32> to vector<1024x128xf32>
      %slice3A_16 = vector.extract_strided_slice %get3A_1 {offsets = [0, 384], sizes = [1024, 128], strides = [1, 1]} : vector<1024x2048xf32> to vector<1024x128xf32>
      %slice3A_17 = vector.extract_strided_slice %get3A_1 {offsets = [0, 512], sizes = [1024, 128], strides = [1, 1]} : vector<1024x2048xf32> to vector<1024x128xf32>
      %slice3A_18 = vector.extract_strided_slice %get3A_1 {offsets = [0, 640], sizes = [1024, 128], strides = [1, 1]} : vector<1024x2048xf32> to vector<1024x128xf32>
      %slice3A_19 = vector.extract_strided_slice %get3A_1 {offsets = [0, 768], sizes = [1024, 128], strides = [1, 1]} : vector<1024x2048xf32> to vector<1024x128xf32>
      %slice3A_20 = vector.extract_strided_slice %get3A_1 {offsets = [0, 896], sizes = [1024, 128], strides = [1, 1]} : vector<1024x2048xf32> to vector<1024x128xf32>
      %slice3A_21 = vector.extract_strided_slice %get3A_1 {offsets = [0, 1024], sizes = [1024, 128], strides = [1, 1]} : vector<1024x2048xf32> to vector<1024x128xf32>
      %slice3A_22 = vector.extract_strided_slice %get3A_1 {offsets = [0, 1152], sizes = [1024, 128], strides = [1, 1]} : vector<1024x2048xf32> to vector<1024x128xf32>
      %slice3A_23 = vector.extract_strided_slice %get3A_1 {offsets = [0, 1280], sizes = [1024, 128], strides = [1, 1]} : vector<1024x2048xf32> to vector<1024x128xf32>
      %slice3A_24 = vector.extract_strided_slice %get3A_1 {offsets = [0, 1408], sizes = [1024, 128], strides = [1, 1]} : vector<1024x2048xf32> to vector<1024x128xf32>
      %slice3A_25 = vector.extract_strided_slice %get3A_1 {offsets = [0, 1536], sizes = [1024, 128], strides = [1, 1]} : vector<1024x2048xf32> to vector<1024x128xf32>
      %slice3A_26 = vector.extract_strided_slice %get3A_1 {offsets = [0, 1664], sizes = [1024, 128], strides = [1, 1]} : vector<1024x2048xf32> to vector<1024x128xf32>
      %slice3A_27 = vector.extract_strided_slice %get3A_1 {offsets = [0, 1792], sizes = [1024, 128], strides = [1, 1]} : vector<1024x2048xf32> to vector<1024x128xf32>
      %slice3A_28 = vector.extract_strided_slice %get3A_1 {offsets = [0, 1920], sizes = [1024, 128], strides = [1, 1]} : vector<1024x2048xf32> to vector<1024x128xf32>
      %add3A = arith.addf %slice3A, %slice3A_14 : vector<1024x128xf32>
      %add3A_29 = arith.addf %slice3A_15, %slice3A_16 : vector<1024x128xf32>
      %add3A_30 = arith.addf %slice3A_17, %slice3A_18 : vector<1024x128xf32>
      %add3A_31 = arith.addf %slice3A_19, %slice3A_20 : vector<1024x128xf32>
      %add3A_32 = arith.addf %slice3A_21, %slice3A_22 : vector<1024x128xf32>
      %add3A_33 = arith.addf %slice3A_23, %slice3A_24 : vector<1024x128xf32>
      %add3A_34 = arith.addf %slice3A_25, %slice3A_26 : vector<1024x128xf32>
      %add3A_35 = arith.addf %slice3A_27, %slice3A_28 : vector<1024x128xf32>
      %add3A_36 = arith.addf %add3A, %add3A_29 : vector<1024x128xf32>
      %add3A_37 = arith.addf %add3A_30, %add3A_31 : vector<1024x128xf32>
      %add3A_38 = arith.addf %add3A_32, %add3A_33 : vector<1024x128xf32>
      %add3A_39 = arith.addf %add3A_34, %add3A_35 : vector<1024x128xf32>
      %add3A_40 = arith.addf %add3A_36, %add3A_37 : vector<1024x128xf32>
      %add3A_41 = arith.addf %add3A_38, %add3A_39 : vector<1024x128xf32>
      %add3A_42 = arith.addf %add3A_40, %add3A_41 : vector<1024x128xf32>
      %swap3A = arith.constant 0 : index
      %swap3A_43 = arith.constant 0 : index
      %swap3A_44 = vector.load %arg6[%swap3A, %swap3A_43] : memref<1024x128xf32, #tpu.memory_space<vmem>>, vector<1024x128xf32>
      tpu.vector_store %arg6[%swap3A, %swap3A_43], %add3A_42 {strides = array<i32>} : memref<1024x128xf32, #tpu.memory_space<vmem>>, vector<1024x128xf32>,
    } else {
    }
    %gt3A = arith.constant 0 : i32
    %gt3A_4 = arith.cmpi sgt, %arg0, %gt3A : i32
    %lt3A = arith.constant 48 : i32
    %lt3A_5 = arith.cmpi slt, %arg0, %lt3A : i32
    %and3A = arith.andi %gt3A_4, %lt3A_5 : i1
    %convert_element_type3A_6 = arith.extui %and3A : i1 to i32
    %cond3A_7 = arith.constant 0 : i32
    %cond3A_8 = arith.cmpi ne, %convert_element_type3A_6, %cond3A_7 : i32
    scf.if %cond3A_8 {
      %get3A_14 = arith.constant 0 : index
      %get3A_15 = arith.constant 0 : index
      %get3A_16 = vector.load %arg6[%get3A_14, %get3A_15] : memref<1024x128xf32, #tpu.memory_space<vmem>>, vector<1024x128xf32>
      %slice3A = vector.extract_strided_slice %get3A_1 {offsets = [0, 0], sizes = [1024, 128], strides = [1, 1]} : vector<1024x2048xf32> to vector<1024x128xf32>
      %slice3A_17 = vector.extract_strided_slice %get3A_1 {offsets = [0, 128], sizes = [1024, 128], strides = [1, 1]} : vector<1024x2048xf32> to vector<1024x128xf32>
      %slice3A_18 = vector.extract_strided_slice %get3A_1 {offsets = [0, 256], sizes = [1024, 128], strides = [1, 1]} : vector<1024x2048xf32> to vector<1024x128xf32>
      %slice3A_19 = vector.extract_strided_slice %get3A_1 {offsets = [0, 384], sizes = [1024, 128], strides = [1, 1]} : vector<1024x2048xf32> to vector<1024x128xf32>
      %slice3A_20 = vector.extract_strided_slice %get3A_1 {offsets = [0, 512], sizes = [1024, 128], strides = [1, 1]} : vector<1024x2048xf32> to vector<1024x128xf32>
      %slice3A_21 = vector.extract_strided_slice %get3A_1 {offsets = [0, 640], sizes = [1024, 128], strides = [1, 1]} : vector<1024x2048xf32> to vector<1024x128xf32>
      %slice3A_22 = vector.extract_strided_slice %get3A_1 {offsets = [0, 768], sizes = [1024, 128], strides = [1, 1]} : vector<1024x2048xf32> to vector<1024x128xf32>
      %slice3A_23 = vector.extract_strided_slice %get3A_1 {offsets = [0, 896], sizes = [1024, 128], strides = [1, 1]} : vector<1024x2048xf32> to vector<1024x128xf32>
      %slice3A_24 = vector.extract_strided_slice %get3A_1 {offsets = [0, 1024], sizes = [1024, 128], strides = [1, 1]} : vector<1024x2048xf32> to vector<1024x128xf32>
      %slice3A_25 = vector.extract_strided_slice %get3A_1 {offsets = [0, 1152], sizes = [1024, 128], strides = [1, 1]} : vector<1024x2048xf32> to vector<1024x128xf32>
      %slice3A_26 = vector.extract_strided_slice %get3A_1 {offsets = [0, 1280], sizes = [1024, 128], strides = [1, 1]} : vector<1024x2048xf32> to vector<1024x128xf32>
      %slice3A_27 = vector.extract_strided_slice %get3A_1 {offsets = [0, 1408], sizes = [1024, 128], strides = [1, 1]} : vector<1024x2048xf32> to vector<1024x128xf32>
      %slice3A_28 = vector.extract_strided_slice %get3A_1 {offsets = [0, 1536], sizes = [1024, 128], strides = [1, 1]} : vector<1024x2048xf32> to vector<1024x128xf32>
      %slice3A_29 = vector.extract_strided_slice %get3A_1 {offsets = [0, 1664], sizes = [1024, 128], strides = [1, 1]} : vector<1024x2048xf32> to vector<1024x128xf32>
      %slice3A_30 = vector.extract_strided_slice %get3A_1 {offsets = [0, 1792], sizes = [1024, 128], strides = [1, 1]} : vector<1024x2048xf32> to vector<1024x128xf32>
      %slice3A_31 = vector.extract_strided_slice %get3A_1 {offsets = [0, 1920], sizes = [1024, 128], strides = [1, 1]} : vector<1024x2048xf32> to vector<1024x128xf32>
      %add3A = arith.addf %slice3A, %slice3A_17 : vector<1024x128xf32>
      %add3A_32 = arith.addf %slice3A_18, %slice3A_19 : vector<1024x128xf32>
      %add3A_33 = arith.addf %slice3A_20, %slice3A_21 : vector<1024x128xf32>
      %add3A_34 = arith.addf %slice3A_22, %slice3A_23 : vector<1024x128xf32>
      %add3A_35 = arith.addf %slice3A_24, %slice3A_25 : vector<1024x128xf32>
      %add3A_36 = arith.addf %slice3A_26, %slice3A_27 : vector<1024x128xf32>
      %add3A_37 = arith.addf %slice3A_28, %slice3A_29 : vector<1024x128xf32>
      %add3A_38 = arith.addf %slice3A_30, %slice3A_31 : vector<1024x128xf32>
      %add3A_39 = arith.addf %add3A, %add3A_32 : vector<1024x128xf32>
      %add3A_40 = arith.addf %add3A_33, %add3A_34 : vector<1024x128xf32>
      %add3A_41 = arith.addf %add3A_35, %add3A_36 : vector<1024x128xf32>
      %add3A_42 = arith.addf %add3A_37, %add3A_38 : vector<1024x128xf32>
      %add3A_43 = arith.addf %add3A_39, %add3A_40 : vector<1024x128xf32>
      %add3A_44 = arith.addf %add3A_41, %add3A_42 : vector<1024x128xf32>
      %add3A_45 = arith.addf %add3A_43, %add3A_44 : vector<1024x128xf32>
      %add3A_46 = arith.addf %get3A_16, %add3A_45 : vector<1024x128xf32>
      %swap3A = arith.constant 0 : index
      %swap3A_47 = arith.constant 0 : index
      %swap3A_48 = vector.load %arg6[%swap3A, %swap3A_47] : memref<1024x128xf32, #tpu.memory_space<vmem>>, vector<1024x128xf32>
      tpu.vector_store %arg6[%swap3A, %swap3A_47], %add3A_46 {strides = array<i32>} : memref<1024x128xf32, #tpu.memory_space<vmem>>, vector<1024x128xf32>,
    } else {
    }
    %eq3A_9 = arith.constant 48 : i32
    %eq3A_10 = arith.cmpi eq, %arg0, %eq3A_9 : i32
    %convert_element_type3A_11 = arith.extui %eq3A_10 : i1 to i32
    %cond3A_12 = arith.constant 0 : i32
    %cond3A_13 = arith.cmpi ne, %convert_element_type3A_11, %cond3A_12 : i32
    scf.if %cond3A_13 {
      %mul3A = arith.constant 2048 : i32
      %mul3A_14 = arith.muli %arg0, %mul3A : i32
      %iota3A = tpu.iota {dimensions = array<i32: 1>} : vector<1x2048xi32>
      %add3A = vector.broadcast %mul3A_14 : i32 to vector<1x2048xi32>
      %add3A_15 = arith.addi %add3A, %iota3A : vector<1x2048xi32>
      %get3A_16 = arith.constant 0 : index
      %get3A_17 = arith.constant 0 : index
      %get3A_18 = vector.load %arg6[%get3A_16, %get3A_17] : memref<1024x128xf32, #tpu.memory_space<vmem>>, vector<1024x128xf32>
      %lt3A_19 = arith.constant 100000 : i32
      %lt3A_20 = vector.broadcast %lt3A_19 : i32 to vector<1x2048xi32>
      %lt3A_21 = arith.cmpi slt, %add3A_15, %lt3A_20 : vector<1x2048xi32>
      %jit3A = arith.constant 0.000000e+00 : f32
      %broadcast_in_dim3A = vector.shape_cast %lt3A_21 : vector<1x2048xi1> to vector<1x2048xi1>
      %broadcast_in_dim3A_22 = vector.broadcast %broadcast_in_dim3A : vector<1x2048xi1> to vector<1024x2048xi1>
      %broadcast_in_dim3A_23 = vector.broadcast %jit3A : f32 to vector<1024x2048xf32>
      %select_n3A = arith.select %broadcast_in_dim3A_22, %get3A_1, %broadcast_in_dim3A_23 : vector<1024x2048xi1>, vector<1024x2048xf32>
      %slice3A = vector.extract_strided_slice %select_n3A {offsets = [0, 0], sizes = [1024, 128], strides = [1, 1]} : vector<1024x2048xf32> to vector<1024x128xf32>
      %slice3A_24 = vector.extract_strided_slice %select_n3A {offsets = [0, 128], sizes = [1024, 128], strides = [1, 1]} : vector<1024x2048xf32> to vector<1024x128xf32>
      %slice3A_25 = vector.extract_strided_slice %select_n3A {offsets = [0, 256], sizes = [1024, 128], strides = [1, 1]} : vector<1024x2048xf32> to vector<1024x128xf32>
      %slice3A_26 = vector.extract_strided_slice %select_n3A {offsets = [0, 384], sizes = [1024, 128], strides = [1, 1]} : vector<1024x2048xf32> to vector<1024x128xf32>
      %slice3A_27 = vector.extract_strided_slice %select_n3A {offsets = [0, 512], sizes = [1024, 128], strides = [1, 1]} : vector<1024x2048xf32> to vector<1024x128xf32>
      %slice3A_28 = vector.extract_strided_slice %select_n3A {offsets = [0, 640], sizes = [1024, 128], strides = [1, 1]} : vector<1024x2048xf32> to vector<1024x128xf32>
      %slice3A_29 = vector.extract_strided_slice %select_n3A {offsets = [0, 768], sizes = [1024, 128], strides = [1, 1]} : vector<1024x2048xf32> to vector<1024x128xf32>
      %slice3A_30 = vector.extract_strided_slice %select_n3A {offsets = [0, 896], sizes = [1024, 128], strides = [1, 1]} : vector<1024x2048xf32> to vector<1024x128xf32>
      %slice3A_31 = vector.extract_strided_slice %select_n3A {offsets = [0, 1024], sizes = [1024, 128], strides = [1, 1]} : vector<1024x2048xf32> to vector<1024x128xf32>
      %slice3A_32 = vector.extract_strided_slice %select_n3A {offsets = [0, 1152], sizes = [1024, 128], strides = [1, 1]} : vector<1024x2048xf32> to vector<1024x128xf32>
      %slice3A_33 = vector.extract_strided_slice %select_n3A {offsets = [0, 1280], sizes = [1024, 128], strides = [1, 1]} : vector<1024x2048xf32> to vector<1024x128xf32>
      %slice3A_34 = vector.extract_strided_slice %select_n3A {offsets = [0, 1408], sizes = [1024, 128], strides = [1, 1]} : vector<1024x2048xf32> to vector<1024x128xf32>
      %slice3A_35 = vector.extract_strided_slice %select_n3A {offsets = [0, 1536], sizes = [1024, 128], strides = [1, 1]} : vector<1024x2048xf32> to vector<1024x128xf32>
      %slice3A_36 = vector.extract_strided_slice %select_n3A {offsets = [0, 1664], sizes = [1024, 128], strides = [1, 1]} : vector<1024x2048xf32> to vector<1024x128xf32>
      %slice3A_37 = vector.extract_strided_slice %select_n3A {offsets = [0, 1792], sizes = [1024, 128], strides = [1, 1]} : vector<1024x2048xf32> to vector<1024x128xf32>
      %slice3A_38 = vector.extract_strided_slice %select_n3A {offsets = [0, 1920], sizes = [1024, 128], strides = [1, 1]} : vector<1024x2048xf32> to vector<1024x128xf32>
      %add3A_39 = arith.addf %slice3A, %slice3A_24 : vector<1024x128xf32>
      %add3A_40 = arith.addf %slice3A_25, %slice3A_26 : vector<1024x128xf32>
      %add3A_41 = arith.addf %slice3A_27, %slice3A_28 : vector<1024x128xf32>
      %add3A_42 = arith.addf %slice3A_29, %slice3A_30 : vector<1024x128xf32>
      %add3A_43 = arith.addf %slice3A_31, %slice3A_32 : vector<1024x128xf32>
      %add3A_44 = arith.addf %slice3A_33, %slice3A_34 : vector<1024x128xf32>
      %add3A_45 = arith.addf %slice3A_35, %slice3A_36 : vector<1024x128xf32>
      %add3A_46 = arith.addf %slice3A_37, %slice3A_38 : vector<1024x128xf32>
      %add3A_47 = arith.addf %add3A_39, %add3A_40 : vector<1024x128xf32>
      %add3A_48 = arith.addf %add3A_41, %add3A_42 : vector<1024x128xf32>
      %add3A_49 = arith.addf %add3A_43, %add3A_44 : vector<1024x128xf32>
      %add3A_50 = arith.addf %add3A_45, %add3A_46 : vector<1024x128xf32>
      %add3A_51 = arith.addf %add3A_47, %add3A_48 : vector<1024x128xf32>
      %add3A_52 = arith.addf %add3A_49, %add3A_50 : vector<1024x128xf32>
      %add3A_53 = arith.addf %add3A_51, %add3A_52 : vector<1024x128xf32>
      %add3A_54 = arith.addf %get3A_18, %add3A_53 : vector<1024x128xf32>
      %swap3A = arith.constant 0 : index
      %swap3A_55 = arith.constant 0 : index
      %swap3A_56 = vector.load %arg6[%swap3A, %swap3A_55] : memref<1024x128xf32, #tpu.memory_space<vmem>>, vector<1024x128xf32>
      tpu.vector_store %arg6[%swap3A, %swap3A_55], %add3A_54 {strides = array<i32>} : memref<1024x128xf32, #tpu.memory_space<vmem>>, vector<1024x128xf32>,
      %get3A_57 = arith.constant 0 : index
      %get3A_58 = arith.constant 0 : index
      %get3A_59 = vector.load %arg1[%get3A_57, %get3A_58] : memref<1024x1xi32, #tpu.memory_space<vmem>>, vector<1024x1xi32>
      %get3A_60 = arith.constant 0 : index
      %get3A_61 = arith.constant 0 : index
      %get3A_62 = vector.load %arg2[%get3A_60, %get3A_61] : memref<1024x1xf32, #tpu.memory_space<vmem>>, vector<1024x1xf32>
      %get3A_63 = arith.constant 0 : index
      %get3A_64 = arith.constant 0 : index
      %get3A_65 = vector.load %arg6[%get3A_63, %get3A_64] : memref<1024x128xf32, #tpu.memory_space<vmem>>, vector<1024x128xf32>
      %reduce_sum3A = arith.constant dense<0.000000e+00> : vector<1024xf32>
      %reduce_sum3A_66 = vector.multi_reduction <add>, %get3A_65, %reduce_sum3A [1] : vector<1024x128xf32> to vector<1024xf32>
      %broadcast_in_dim3A_67 = vector.shape_cast %reduce_sum3A_66 : vector<1024xf32> to vector<1024x1xf32>
      %ne3A = arith.constant 0 : i32
      %ne3A_68 = vector.broadcast %ne3A : i32 to vector<1024x1xi32>
      %ne3A_69 = arith.cmpi ne, %get3A_59, %ne3A_68 : vector<1024x1xi32>
      %convert_element_type3A_70 = arith.extui %ne3A_69 : vector<1024x1xi1> to vector<1024x1xi32>
      %convert_element_type3A_71 = arith.sitofp %convert_element_type3A_70 : vector<1024x1xi32> to vector<1024x1xf32>
      %get3A_72 = arith.constant 0 : index
      %get3A_73 = arith.constant 0 : index
      %get3A_74 = vector.load %arg3[%get3A_72, %get3A_73] : memref<1024x1xf32, #tpu.memory_space<vmem>>, vector<1024x1xf32>
      %sub3A = arith.subf %broadcast_in_dim3A_67, %get3A_74 : vector<1024x1xf32>
      %sub3A_75 = arith.subf %sub3A, %get3A_62 : vector<1024x1xf32>
      %mul3A_76 = arith.constant 1.000020e-06 : f32
      %mul3A_77 = vector.broadcast %mul3A_76 : f32 to vector<1024x1xf32>
      %mul3A_78 = arith.mulf %mul3A_77, %sub3A_75 : vector<1024x1xf32>
      %sub3A_79 = arith.constant -1.47637355 : f32
      %sub3A_80 = vector.broadcast %sub3A_79 : f32 to vector<1024x1xf32>
      %sub3A_81 = arith.subf %sub3A_80, %mul3A_78 : vector<1024x1xf32>
      %mul3A_82 = arith.constant 0.899999976 : f32
      %mul3A_83 = vector.broadcast %mul3A_82 : f32 to vector<1024x1xf32>
      %mul3A_84 = arith.mulf %mul3A_83, %get3A_62 : vector<1024x1xf32>
      %sub3A_85 = arith.subf %sub3A_81, %mul3A_84 : vector<1024x1xf32>
      %mul3A_86 = arith.mulf %convert_element_type3A_71, %sub3A_85 : vector<1024x1xf32>
      %reduce_sum3A_87 = vector.shape_cast %mul3A_86 : vector<1024x1xf32> to vector<1x1024x1xf32>
      %reduce_sum3A_88 = arith.constant dense<0.000000e+00> : vector<1xf32>
      %reduce_sum3A_89 = vector.multi_reduction <add>, %reduce_sum3A_87, %reduce_sum3A_88 [1, 2] : vector<1x1024x1xf32> to vector<1xf32>
      %reduce_sum3A_90 = vector.shape_cast %reduce_sum3A_89 : vector<1xf32> to vector<1x1x1xf32>
      %reduce_sum3A_91 = vector.extract %reduce_sum3A_90[0, 0, 0] : f32 from vector<1x1x1xf32>
      %swap3A_92 = arith.constant 0 : index
      %swap3A_93 = arith.constant 0 : index
      %swap3A_94 = memref.load %arg5[%swap3A_92, %swap3A_93] : memref<1x1xf32, #tpu.memory_space<smem>>
      memref.store %reduce_sum3A_91, %arg5[%swap3A_92, %swap3A_93] : memref<1x1xf32, #tpu.memory_space<smem>>
    } else {
    }
    return
  }
  func.func @transform_0(%arg0: i32) -> (i32, i32) {
    %c0_i32 = arith.constant 0 : i32
    %c0_i32_0 = arith.constant 0 : i32
    %c0_i32_1 = arith.constant 0 : i32
    return %c0_i32, %c0_i32_0 : i32, i32
  }
  func.func @transform_1(%arg0: i32) -> (i32, i32) {
    %c0_i32 = arith.constant 0 : i32
    %c0_i32_0 = arith.constant 0 : i32
    %c0_i32_1 = arith.constant 0 : i32
    return %c0_i32, %c0_i32_0 : i32, i32
  }
  func.func @transform_2(%arg0: i32) -> (i32, i32) {
    %c0_i32 = arith.constant 0 : i32
    %c0_i32_0 = arith.constant 0 : i32
    %c0_i32_1 = arith.constant 0 : i32
    return %c0_i32, %c0_i32_0 : i32, i32
  }
  func.func @transform_3(%arg0: i32) -> (i32, i32) {
    %c0_i32 = arith.constant 0 : i32
    %c0_i32_0 = arith.constant 0 : i32
    return %c0_i32, %arg0 : i32, i32
  }
  func.func @transform_4(%arg0: i32) -> (i32, i32) {
    %c0_i32 = arith.constant 0 : i32
    %c0_i32_0 = arith.constant 0 : i32
    %c0_i32_1 = arith.constant 0 : i32
    return %c0_i32, %c0_i32_0 : i32, i32
  }
}

</mosaic_0001>

<sc_bundles>
// kernel: kernel.4.cloned.1.call-start
scs
__scs_entry_jumppad:
0x0: {  	(pc) =	sbr.rel $0x88, $3  }
0x1: {  	(tag) =	ssettag $0x0;
	lr =	simm.s32 $0x1  }
0x2: {  	[smem:$0x3F9F] =	sst lr;
	_ =	strace $0xD0000000  }
0x3: {  	_ = 	snop  }
0x4: {  	_ = 	snop  }
0x5: {  	_ = 	snop  }
0x6: {  	_ = 	snop  }
0x7: {  	_ = 	snop  }
__scs_overlays_trampoline_lowered:
0x8: {  	[smem:$0x3FAE] =	sst s0  }
0x9: {  	[smem:$0x3FAF] =	sst s1  }
0xa: {  	[smem:$0x3FB0] =	sst s2  }
0xb: {  	[smem:$0x3FB1] =	sst s3  }
0xc: {  	[smem:$0x3FB2] =	sst s4  }
0xd: {  	[smem:$0x3FB3] =	sst s5  }
0xe: {  	[smem:$0x3FB4] =	sst s6  }
0xf: {  	[smem:$0x3FB5] =	sst s7  }
0x10: {  	[smem:$0x3FB6] =	sst s8  }
0x11: {  	[smem:$0x3FB7] =	sst s9;
	s0 =	simm.s32 @!p0 $0x0  }
0x12: {  	s1 =	sld [smem:$0x3F9D];
	s0 =	simm.s32 @p0 $0x1  }
0x13: {  	[smem:$0x3FB8] =	sst s0;
	s0 =	simm.s32 @!p1 $0x0  }
0x14: {  	s2 =	sld [smem:$0x3F9C];
	s0 =	simm.s32 @p1 $0x1  }
0x15: {  	[smem:$0x3FB9] =	sst s0;
	s0 =	simm.s32 @!p2 $0x0  }
0x16: {  	s3 =	sld [smem:$0x3FDB];
	s0 =	simm.s32 @p2 $0x1  }
0x17: {  	s4 =	simm.s32 $0x1BF5;
	[smem:$0x3FBB] =	sst s0  }
0x18: {  	s0 =	sld [smem:$0x3F9E];
	_ =	swait.ge [sflag:s4], $0x0  }
0x19: {  	s7 =	sld [smem:$0x3F9F]  }
0x1a: {  	s8 =	sadd.s32 $0xFFFFE003, lr  }
0x1b: {  	s9 =	sadd.s32 $0xFFFFFEF7, lr;
	s5 =	simm.s32 $0xFFFFFFFF;
	p2 =	slt.u32 s8, $0xFFFFF086  }
0x1c: {  	p1 =	slt.u32 s9, $0xF7A;
	s5 =	simm.s32 @!p2 $0x0  }
0x1d: {  	s5 =	simm.s32 @p1 $0x1;
	p0 =	seq.s32 s7, s2  }
0x1e: {  	s7 =	smul.u32 @!p0 $0xF7A, s2;
	p2 =	seq.s32 @!p0 s5, $0x0  }
0x1f: {  	s9 =	smul.u32 $0xF7A, s1;
	s8 =	simm.s32 @!p0 $0x1BF5;
	p2 =	por !p2, p0  }
0x20: {  	[sflag:s8] =	ssyncset.s32 @!p0 $0xFFFFF086;
	s6 =	sadd.s32 @!p0 s3, s7;
	s7 =	simm.s32 @!p0 $0x108  }
0x21: {  	s3 =	sadd.s32 s3, s9;
	s6 =	sadd.s32 @!p0 $0x88, s6;
	s7 =	simm.s32 @p2 $0x1082  }
0x22: {  	[simem:s7], [sflag:s8] =	dma.local @!p0 [hbm:s6], $0xF7A  }
0x23: {  	s9 =	sor.u32 $0xD0000000, s2;
	s6 =	simm.s32 $0x108;
	_ =	swait.ge @!p0 [sflag:s8], $0x0  }
0x24: {  	s3 =	sadd.s32 $0x88, s3;
	s6 =	simm.s32 @!p1 $0x1082;
	[sflag:s4] =	ssyncset.s32 $0xFFFFF086  }
0x25: {  	[simem:s6], [sflag:s4] =	dma.local [hbm:s3], $0xF7A  }
0x26: {  	[smem:$0x3F9F] =	sst s1;
	(tag) =	ssettag s2;
	_ =	strace s9  }
0x27: {  	s1 =	sld [smem:$0x3FAF]  }
0x28: {  	s2 =	sld [smem:$0x3FB0]  }
0x29: {  	s4 =	sld [smem:$0x3FB2]  }
0x2a: {  	p0 =	seq.s32 s5, $0x0;
	s5 =	sld [smem:$0x3FB3]  }
0x2b: {  	s6 =	sld [smem:$0x3FB4]  }
0x2c: {  	s7 =	sld [smem:$0x3FB5]  }
0x2d: {  	s3 =	simm.s32 $0x108;
	s8 =	sld [smem:$0x3FB6]  }
0x2e: {  	s3 =	simm.s32 @!p0 $0x1082;
	s9 =	sld [smem:$0x3FB7]  }
0x2f: {  	lr =	sadd.s32 s0, s3;
	s0 =	sld [smem:$0x3FAE]  }
0x30: {  	s3 =	sld [smem:$0x3FB1]  }
0x31: {  	[smem:$0x3FBA] =	sst s10  }
0x32: {  	s10 =	sld [smem:$0x3FB8];
	_ =	sdelay $0x3  }
0x33: {  	p0 =	seq.s32 s10, $0x1;
	s10 =	sld [smem:$0x3FBA];
	_ =	sdelay $0x3  }
0x34: {  	[smem:$0x3FBA] =	sst s10  }
0x35: {  	s10 =	sld [smem:$0x3FB9];
	_ =	sdelay $0x3  }
0x36: {  	p1 =	seq.s32 s10, $0x1;
	s10 =	sld [smem:$0x3FBA];
	_ =	sdelay $0x3  }
0x37: {  	[smem:$0x3FBA] =	sst s10  }
0x38: {  	s10 =	sld [smem:$0x3FBB]  }
0x39: {  	_ = 	snop;
	(pc) =	sbr.ind lr, $3  }
0x3a: {  	_ = 	snop  }
0x3b: {  	_ = 	snop  }
0x3c: {  	p2 =	seq.s32 s10, $0x1;
	s10 =	sld [smem:$0x3FBA]  }
0x3d: {  	_ =	shalt  }
0x3e: {  	_ =	shalt  }
0x3f: {  	_ =	shalt  }
0x40: {  	_ =	shalt  }
0x41: {  	_ =	shalt  }
0x42: {  	_ =	shalt  }
0x43: {  	_ =	shalt  }
0x44: {  	_ =	shalt  }
0x45: {  	_ =	shalt  }
0x46: {  	_ =	shalt  }
0x47: {  	_ =	shalt  }
0x48: {  	_ =	shalt  }
0x49: {  	_ =	shalt  }
0x4a: {  	_ =	shalt  }
0x4b: {  	_ =	shalt  }
0x4c: {  	_ =	shalt  }
0x4d: {  	_ =	shalt  }
0x4e: {  	_ =	shalt  }
0x4f: {  	_ =	shalt  }
0x50: {  	_ =	shalt  }
0x51: {  	_ =	shalt  }
0x52: {  	_ =	shalt  }
0x53: {  	_ =	shalt  }
0x54: {  	_ =	shalt  }
0x55: {  	_ =	shalt  }
0x56: {  	_ =	shalt  }
0x57: {  	_ =	shalt  }
0x58: {  	_ =	shalt  }
0x59: {  	_ =	shalt  }
0x5a: {  	_ =	shalt  }
0x5b: {  	_ =	shalt  }
0x5c: {  	_ =	shalt  }
0x5d: {  	_ =	shalt  }
0x5e: {  	_ =	shalt  }
0x5f: {  	_ =	shalt  }
0x60: {  	_ =	shalt  }
0x61: {  	_ =	shalt  }
0x62: {  	_ =	shalt  }
0x63: {  	_ =	shalt  }
0x64: {  	_ =	shalt  }
0x65: {  	_ =	shalt  }
0x66: {  	_ =	shalt  }
0x67: {  	_ =	shalt  }
0x68: {  	_ =	shalt  }
0x69: {  	_ =	shalt  }
0x6a: {  	_ =	shalt  }
0x6b: {  	_ =	shalt  }
0x6c: {  	_ =	shalt  }
0x6d: {  	_ =	shalt  }
0x6e: {  	_ =	shalt  }
0x6f: {  	_ =	shalt  }
0x70: {  	_ =	shalt  }
0x71: {  	_ =	shalt  }
0x72: {  	_ =	shalt  }
0x73: {  	_ =	shalt  }
0x74: {  	_ =	shalt  }
0x75: {  	_ =	shalt  }
0x76: {  	_ =	shalt  }
0x77: {  	_ =	shalt  }
0x78: {  	_ =	shalt  }
0x79: {  	_ =	shalt  }
0x7a: {  	_ =	shalt  }
0x7b: {  	_ =	shalt  }
0x7c: {  	_ =	shalt  }
0x7d: {  	_ =	shalt  }
0x7e: {  	_ =	shalt  }
0x7f: {  	_ =	shalt  }
0x80: {  	_ =	shalt  }
0x81: {  	_ =	shalt  }
0x82: {  	_ =	shalt  }
0x83: {  	_ =	shalt  }
0x84: {  	_ =	shalt  }
0x85: {  	_ =	shalt  }
0x86: {  	_ =	shalt  }
0x87: {  	_ =	shalt  }
.Lfunc_end0:
.L_simem_size_0:
called_computation_lowered:
.L_overlay_start_0:
0x88: {  	s2 =	sld [smem:$0x3FD9]  }
0x89: {  	s3 =	sld [smem:$0x3FFE];
	_ =	sdelay $0x1  }
0x8a: {  	s1 =	srdreg.scid  }
0x8b: {  	s0 =	sand.u32 $0x1, s1  }
0x8c: {  	s17 =	sshll.u32 s0, $0xA;
	s2 =	sadd.s32 s3, s2  }
0x8d: {  	s2 =	sadd.s32 s2, s17  }
0x8e: {  	[smem:$0x3FC6] =	sst s2  }
0x8f: {  	_ = 	snop  }
0x90: {  	s2 =	sld [smem:$0x3FC8];
	(tm) =	ssettm $0x1  }
0x91: {  	s18 =	sld [smem:$0x3FFB];
	_ =	sdelay $0x3  }
0x92: {  	_ =	strace s18  }
0x93: {  	s3 =	sld [smem:$0x3FFC];
	_ =	sdelay $0x3  }
0x94: {  	_ =	strace s3  }
0x95: {  	s3 =	sld [smem:$0x3FFD];
	_ =	sdelay $0x3  }
0x96: {  	_ =	strace s3  }
0x97: {  	_ =	strace $0x8FFFFFFF  }
0x98: {  	s19 =	sld [smem:$0x3FDB];
	_ =	sdelay $0x1  }
0x99: {  	s4 =	simm.s32 $_scs_section_size  }
0x9a: {  	s5 =	simm.s32 $_size__tile_overlayer_lowered;
	s6 =	simm.s32 $_tile_overlayer_lowered  }
0x9b: {  	s22 =	simm.s32 $0x1BFF;
	s21 =	sshll.u32 s6, $0x1;
	s3 =	sadd.s32 s4, s19  }
0x9c: {  	s7 =	simm.s32 $0x0;
	s20 =	sshll.u32 s5, $0x1;
	s5 =	sadd.s32 s21, s3  }
0x9d: {  	[timem:s7], [sflag:s22] =	dma.local [hbm:s5], s20  }
0x9e: {  	_ =	swait.ge [sflag:s22], s20  }
0x9f: {  	s4 =	ssub.s32 $0x0, s20;
	[sflag:s22] =	ssyncset.done $0x0  }
0xa0: {  	[sflag:s22] =	ssyncadd.s32 s4;
	_ =	sdelay $0x1  }
0xa1: {  	s23 =	simm.s32 $0x1B8B  }
0xa2: {  	_ =	swait.ge [sflag:s23], $0x1  }
0xa3: {  	[sflag:s23] =	ssyncset.done $0x0  }
0xa4: {  	s25 =	simm.s32 $0x1B8E;
	s24 =	sld [smem:$0x3FFE];
	[sflag:s23] =	ssyncadd.s32 $0xFFFFFFFF  }
0xa5: {  	s26 =	simm.s32 $execute0_lowered;
	[smem:$0x3FD2] =	sst s25  }
0xa6: {  	s5 =	sshll.u32 s26, $0x1;
	_ =	strace $0x80000046;
	[dreg:$0x1] =	wrdreg $0xFFFFFFFF  }
0xa7: {  	s28 =	simm.s32 $_size_execute0_lowered;
	s3 =	sadd.s32 s3, s5;
	[dreg:$0x0] =	wrdreg $0x0  }
0xa8: {  	s5 =	sshll.u32 s28, $0x1;
	[dreg:$0x2] =	wrdreg s3  }
0xa9: {  	[dreg:$0x3] =	wrdreg s5  }
0xaa: {  	[dreg:$0x4] =	wrdreg $0xC0  }
0xab: {  	_ =	task [dreg:s7], $0x5FFFF  }
0xac: {  	[dreg:$0x1] =	wrdreg $0xFFFFFFFF  }
0xad: {  	[dreg:$0x0] =	wrdreg $0x60  }
0xae: {  	[dreg:$0x2] =	wrdreg s24  }
0xaf: {  	[dreg:$0x3] =	wrdreg s2  }
0xb0: {  	[dreg:$0x4] =	wrdreg $0x9  }
0xb1: {  	_ =	task.clear_ibuf [dreg:s7], $0x5FFFF;
	_ =	strace $0x90000046  }
0xb2: {  	s29 =	simm.s32 $0x9;
	_ =	strace $0x80000048  }
0xb3: {  	_ =	swait.ge [sflag:s29], $0x1  }
0xb4: {  	[sflag:s29] =	ssyncadd.s32 $0xFFFFFFFF  }
0xb5: {  	_ =	strace $0x90000048  }
0xb6: {  	_ =	sfence  }
0xb7: {  	s30 =	sld [smem:$0x0];
	_ =	sdelay $0x2  }
0xb8: {  	s31 =	sshll.u32 s1, $0xD;
	s1 =	sshrl.u32 s1, $0x2  }
0xb9: {  	s3 =	sand.u32 $0x4000, s31;
	s1 =	sadd.s32 s1, s30  }
0xba: {  	s0 =	sor.u32 s3, s0;
	s1 =	sshll.u32 s1, $0x11  }
0xbb: {  	s0 =	sor.u32 s1, s0  }
0xbc: {  	s0 =	sadd.s32 $0x8F2B, s0  }
0xbd: {  	[sflag:s0] =	ssyncadd.remote.s32 $0x1  }
0xbe: {  	_ =	sfence.sel $0xFFFF  }
0xbf: {  	[dreg:$0x0] =	wrdreg $0xFFFFFFFF;
	(pc) =	sbr.abs _section_cstart, $3  }
0xc0: {  	[dreg:$0x1] =	wrdreg $0xFFFFFFFF  }
0xc1: {  	_ =	task.clear_ibuf [dreg:s7], $0x2FFFF;
	_ =	strace $0x9FFFFFFF  }
0xc2: {  	(tm) =	ssettm $0x7FFFFFFF  }
0xc3: {  	_ =	shalt  }
tec
execute0_lowered:
.L_overlay_start_1:
0x0: {  	(tag) =	ssettag $0x1  }
0x1: {  	s1 =	srdreg.scid  }
0x2: {  	s0 =	stileid.u32;
	s4 =	rddreg [dreg:$0x0];
	s9 =	sand.u32 $0x1, s1  }
0x3: {  	s3 =	rddreg [dreg:$0x1];
	s10 =	sshll.u32 s0, $0x3;
	s2 =	sshll.u32 s9, $0x2  }
0x4: {  	s1 =	rddreg [dreg:$0x2];
	s6 =	sor.u32 s2, s10;
	s2 =	simm.s32 $0x0  }
0x5: {  	[smem:$0x7FF] =	sst s2;
	s3 =	sadd.s32 s3, s6  }
0x6: {  	s16 =	simm.s32 $0x400;
	_ =	strace $0x80000047;
	[dreg:$0x3] =	wrdreg s3  }
0x7: {  	s17 =	simm.s32 $0xC3800;
	[dreg:$0x9] =	wrdreg s16  }
0x8: {  	s18 =	simm.s32 $0x480;
	[dreg:$0xa] =	wrdreg s17  }
0x9: {  	s19 =	simm.s32 $0x880;
	[dreg:$0xb] =	wrdreg s18  }
0xa: {  	s20 =	simm.s32 $0xC80;
	[dreg:$0xc] =	wrdreg s19  }
0xb: {  	s21 =	simm.s32 $0x1080;
	[dreg:$0xd] =	wrdreg s20  }
0xc: {  	s22 =	simm.s32 $0x1480;
	[dreg:$0xe] =	wrdreg s21  }
0xd: {  	s23 =	simm.s32 $0x1880;
	[dreg:$0xf] =	wrdreg s22  }
0xe: {  	s24 =	simm.s32 $0x1C80;
	[dreg:$0x10] =	wrdreg s23  }
0xf: {  	s25 =	simm.s32 $0x2080;
	[dreg:$0x11] =	wrdreg s24  }
0x10: {  	s26 =	simm.s32 $0x2480;
	[dreg:$0x12] =	wrdreg s25  }
0x11: {  	s28 =	simm.s32 $0x2880;
	[dreg:$0x13] =	wrdreg s26  }
0x12: {  	s29 =	simm.s32 $0x2C80;
	[dreg:$0x14] =	wrdreg s28  }
0x13: {  	s30 =	simm.s32 $0x3080;
	[dreg:$0x15] =	wrdreg s29  }
0x14: {  	s31 =	simm.s32 $0x3480;
	[dreg:$0x16] =	wrdreg s30  }
0x15: {  	s7 =	simm.s32 $0x3C80;
	[dreg:$0x17] =	wrdreg s31  }
0x16: {  	s8 =	simm.s32 $0x4080;
	s10 =	simm.s32 $0x4480;
	[dreg:$0x19] =	wrdreg s7  }
0x17: {  	s5 =	smul.u32 $0xC3800, s6;
	s6 =	sadd.s32 s6, s4;
	[dreg:$0x1a] =	wrdreg s8  }
0x18: {  	s14 =	sadd.s32 $0xC38A00, s6;
	[dreg:$0x1b] =	wrdreg s10  }
0x19: {  	s15 =	sadd.s32 $0xC38C00, s6;
	[dreg:$0x7] =	wrdreg s14  }
0x1a: {  	s6 =	simm.s32 $0x3880;
	[dreg:$0x8] =	wrdreg s15  }
0x1b: {  	s16 =	simm.s32 $0x5C80;
	[dreg:$0x18] =	wrdreg s6  }
0x1c: {  	s17 =	simm.s32 $0x6080;
	[smem:$0x7F3] =	sst s16  }
0x1d: {  	s18 =	simm.s32 $0x6480;
	[smem:$0x7F4] =	sst s17  }
0x1e: {  	s19 =	simm.s32 $0x6880;
	[smem:$0x7F5] =	sst s18  }
0x1f: {  	s20 =	simm.s32 $0x6C80;
	[smem:$0x7F6] =	sst s19  }
0x20: {  	s21 =	simm.s32 $0x7080;
	[smem:$0x7F7] =	sst s20  }
0x21: {  	s22 =	simm.s32 $0x7480;
	[smem:$0x7F8] =	sst s21  }
0x22: {  	s23 =	simm.s32 $0x7880;
	[smem:$0x7F9] =	sst s22  }
0x23: {  	s24 =	simm.s32 $0x7C80;
	[smem:$0x7FA] =	sst s23  }
0x24: {  	[smem:$0x7FB] =	sst s24  }
0x25: {  	s25 =	simm.s32 $0x9080;
	s26 =	rddreg [dreg:$0x3]  }
0x26: {  	s7 =	simm.s32 $0x9100;
	[smem:$0x7FC] =	sst s25  }
0x27: {  	s14 =	simm.s32 $0x5480;
	[smem:$0x7FD] =	sst s7  }
0x28: {  	s5 =	sshrl.u32 s5, $0x3;
	s15 =	simm.s32 $0x5880;
	[dreg:$0x1f] =	wrdreg s14  }
0x29: {  	s11 =	sadd.s32 $0x18700, s5;
	[smem:$0x7F2] =	sst s15  }
0x2a: {  	[tilespmem:s2], [sflag:$0x2] =	stream.linear.gather [hbm4b:s26+s2], $0x20, $0x38;
	[tilespmem:$0x9180] =	vst v63  }
0x2b: {  	s12 =	sadd.s32 $0x30E00, s5;
	[dreg:$0x4] =	wrdreg s11  }
0x2c: {  	s13 =	sadd.s32 $0x49500, s5;
	[dreg:$0x5] =	wrdreg s12  }
0x2d: {  	[dreg:$0x6] =	wrdreg s13;
	s11 =	simm.s32 $0x4880  }
0x2e: {  	s12 =	simm.s32 $0x4C80;
	[dreg:$0x1c] =	wrdreg s11  }
0x2f: {  	s13 =	simm.s32 $0x5080;
	[dreg:$0x1d] =	wrdreg s12  }
0x30: {  	s3 =	simm.s32 $0x2;
	[dreg:$0x1e] =	wrdreg s13  }
0x31: {  	s4 =	sadd.s32 $0xA00, s4;
	_ =	swait.ge [sflag:s3], $0x20  }
0x32: {  	s6 =	simm.s32 $0x8080;
	s28 =	rddreg [dreg:$0x9];
	[sflag:s3] =	ssyncset.done $0x0  }
0x33: {  	s5 =	sadd.s32 s4, s5;
	s8 =	rddreg [dreg:$0xa];
	[sflag:s3] =	ssyncadd.s32 $0xFFFFFFE0  }
0x34: {  	[tilespmem:s6], [sflag:$0x1] =	stream.strided.gather [hbm4b:s5+s28], $0x1000, s8, s28, $0x38;
	[tilespmem:$0x9180] =	vst v63  }
0x35: {  	v0 =	vld [tilespmem:$0x0];
	_ =	sdelay $0x4  }
0x36: {  	v0 =	vand.u32 $0xFFFFFF80, v0  }
0x37: {  	v1 =	vadd.s32 s5, v0  }
0x38: {  	(v2sf) =	vpush v1, $0x2  }
0x39: {  	(v2sf) =	vpush v1, $0x0;
	_ =	sdelay $0x1  }
0x3a: {  	s29 =	rddreg [dreg:$0x4];
	(v2sf) =	vpush v1, $0x1  }
0x3b: {  	v0 =	vadd.s32 s29, v0  }
0x3c: {  	(v2sf) =	vpush v0, $0x8;
	_ =	sdelay $0x1  }
0x3d: {  	(v2sf) =	vpush v1, $0x3;
	_ =	sdelay $0x1  }
0x3e: {  	(v2sf) =	vpush v1, $0x4;
	_ =	sdelay $0x1  }
0x3f: {  	(v2sf) =	vpush v1, $0x5;
	_ =	sdelay $0x1  }
0x40: {  	s10 =	rddreg [dreg:$0xb];
	(v2sf) =	vpush v1, $0x6  }
0x41: {  	s31 =	rddreg [dreg:$0xc]  }
0x42: {  	s14 =	rddreg [dreg:$0xe];
	s30 =	spop (v2sf);
	(v2sf) =	vpush v1, $0x7  }
0x43: {  	s7 =	simm.s32 $0x80;
	s16 =	rddreg [dreg:$0xf];
	s11 =	spop (v2sf)  }
0x44: {  	(v2sf) =	vpush v0, $0x9;
	[tilespmem:s7], [sflag:$0x1] =	stream.linear.gather [hbm4b:s11+s2], $0x400, $0x38;
	[tilespmem:$0x9180] =	vst v63  }
0x45: {  	s18 =	rddreg [dreg:$0x10];
	s12 =	spop (v2sf);
	(v2sf) =	vpush v0, $0xA  }
0x46: {  	[tilespmem:s10], [sflag:$0x1] =	stream.linear.gather [hbm4b:s12+s2], $0x400, $0x38;
	[tilespmem:$0x9180] =	vst v63  }
0x47: {  	s20 =	rddreg [dreg:$0x11];
	s13 =	spop (v2sf);
	(v2sf) =	vpush v0, $0xB  }
0x48: {  	[tilespmem:s31], [sflag:$0x1] =	stream.linear.gather [hbm4b:s30+s2], $0x400, $0x38;
	[tilespmem:$0x9180] =	vst v63  }
0x49: {  	s12 =	rddreg [dreg:$0xd];
	s15 =	spop (v2sf);
	(v2sf) =	vpush v0, $0xC  }
0x4a: {  	[tilespmem:s12], [sflag:$0x1] =	stream.linear.gather [hbm4b:s15+s2], $0x400, $0x38;
	[tilespmem:$0x9180] =	vst v63  }
0x4b: {  	s23 =	rddreg [dreg:$0x12];
	s17 =	spop (v2sf);
	(v2sf) =	vpush v0, $0xD  }
0x4c: {  	[tilespmem:s14], [sflag:$0x1] =	stream.linear.gather [hbm4b:s17+s2], $0x400, $0x38;
	[tilespmem:$0x9180] =	vst v63  }
0x4d: {  	s25 =	rddreg [dreg:$0x13];
	s19 =	spop (v2sf);
	(v2sf) =	vpush v0, $0xE  }
0x4e: {  	[tilespmem:s16], [sflag:$0x1] =	stream.linear.gather [hbm4b:s19+s2], $0x400, $0x38;
	[tilespmem:$0x9180] =	vst v63  }
0x4f: {  	s29 =	rddreg [dreg:$0x14];
	s21 =	spop (v2sf);
	(v2sf) =	vpush v0, $0xF  }
0x50: {  	[tilespmem:s18], [sflag:$0x1] =	stream.linear.gather [hbm4b:s21+s2], $0x400, $0x38;
	[tilespmem:$0x9180] =	vst v63  }
0x51: {  	s22 =	sand.u32 $0x1FFFFF80, s13;
	s31 =	rddreg [dreg:$0x15];
	s24 =	spop (v2sf)  }
0x52: {  	[tilespmem:s20], [sflag:$0x1] =	stream.linear.gather [hbm4b:s24+s2], $0x400, $0x38;
	[tilespmem:$0x9180] =	vst v63  }
0x53: {  	s8 =	sadd.s32 s4, s22;
	s16 =	rddreg [dreg:$0x16];
	s26 =	spop (v2sf)  }
0x54: {  	s19 =	rddreg [dreg:$0x17];
	s28 =	sand.u32 $0x1FFFFF80, s26;
	s30 =	spop (v2sf)  }
0x55: {  	[tilespmem:s23], [sflag:$0x1] =	stream.linear.gather [hbm4b:s8+s2], $0x400, $0x38;
	[tilespmem:$0x9180] =	vst v63  }
0x56: {  	s8 =	sadd.s32 s4, s28;
	s14 =	sand.u32 $0x1FFFFF80, s30;
	s15 =	spop (v2sf)  }
0x57: {  	[tilespmem:s25], [sflag:$0x1] =	stream.linear.gather [hbm4b:s8+s2], $0x400, $0x38;
	[tilespmem:$0x9180] =	vst v63  }
0x58: {  	s10 =	sadd.s32 s4, s14;
	s12 =	sand.u32 $0x1FFFFF80, s15;
	s13 =	spop (v2sf)  }
0x59: {  	[tilespmem:s29], [sflag:$0x1] =	stream.linear.gather [hbm4b:s10+s2], $0x400, $0x38;
	[tilespmem:$0x9180] =	vst v63  }
0x5a: {  	s17 =	sadd.s32 s4, s12;
	s18 =	sand.u32 $0x1FFFFF80, s13;
	s20 =	spop (v2sf)  }
0x5b: {  	[tilespmem:s31], [sflag:$0x1] =	stream.linear.gather [hbm4b:s17+s2], $0x400, $0x38;
	[tilespmem:$0x9180] =	vst v63  }
0x5c: {  	s12 =	sadd.s32 s4, s18;
	s11 =	sand.u32 $0x1FFFFF80, s20;
	s22 =	spop (v2sf)  }
0x5d: {  	[tilespmem:s16], [sflag:$0x1] =	stream.linear.gather [hbm4b:s12+s2], $0x400, $0x38;
	[tilespmem:$0x9180] =	vst v63  }
0x5e: {  	s11 =	sadd.s32 s4, s11;
	s23 =	spop (v2sf);
	s12 =	sand.u32 $0x1FFFFF80, s22  }
0x5f: {  	[tilespmem:s19], [sflag:$0x1] =	stream.linear.gather [hbm4b:s11+s2], $0x400, $0x38;
	[tilespmem:$0x9180] =	vst v63  }
0x60: {  	s21 =	rddreg [dreg:$0x18];
	s25 =	sand.u32 $0x1FFFFF80, s23;
	s24 =	sadd.s32 s4, s12  }
0x61: {  	[tilespmem:s21], [sflag:$0x1] =	stream.linear.gather [hbm4b:s24+s2], $0x400, $0x38;
	[tilespmem:$0x9180] =	vst v63  }
0x62: {  	s26 =	rddreg [dreg:$0x19];
	s28 =	sadd.s32 s4, s25  }
0x63: {  	[tilespmem:s26], [sflag:$0x1] =	stream.linear.gather [hbm4b:s28+s2], $0x400, $0x38;
	[tilespmem:$0x9180] =	vst v63  }
0x64: {  	v0 =	vld [tilespmem:$0x10];
	_ =	sdelay $0x4  }
0x65: {  	s29 =	rddreg [dreg:$0x5];
	v0 =	vand.u32 $0xFFFFFF80, v0  }
0x66: {  	v1 =	vadd.s32 s29, v0  }
0x67: {  	(v2sf) =	vpush v1, $0x0;
	_ =	sdelay $0x1  }
0x68: {  	(v2sf) =	vpush v1, $0x1  }
0x69: {  	(v2sf) =	vpush v1, $0x2;
	_ =	sdelay $0x1  }
0x6a: {  	(v2sf) =	vpush v1, $0x3;
	_ =	sdelay $0x1  }
0x6b: {  	(v2sf) =	vpush v1, $0x4  }
0x6c: {  	s30 =	rddreg [dreg:$0x6]  }
0x6d: {  	s15 =	rddreg [dreg:$0x1b];
	(v2sf) =	vpush v1, $0x5  }
0x6e: {  	s20 =	rddreg [dreg:$0x1d]  }
0x6f: {  	s31 =	rddreg [dreg:$0x1a];
	(v2sf) =	vpush v1, $0x6  }
0x70: {  	s25 =	sld [smem:$0x7F2]  }
0x71: {  	s16 =	rddreg [dreg:$0x1c]  }
0x72: {  	s21 =	rddreg [dreg:$0x1e]  }
0x73: {  	s24 =	rddreg [dreg:$0x1f];
	s13 =	spop (v2sf);
	(v2sf) =	vpush v1, $0x7  }
0x74: {  	v0 =	vadd.s32 s30, v0;
	s29 =	sld [smem:$0x7F3];
	s11 =	sand.u32 $0x1FFFFF80, s13  }
0x75: {  	s30 =	sld [smem:$0x7F4];
	s14 =	spop (v2sf);
	(v2sf) =	vpush v0, $0x8;
	s11 =	sadd.s32 s4, s11  }
0x76: {  	s12 =	sand.u32 $0x1FFFFF80, s14;
	s17 =	spop (v2sf);
	(v2sf) =	vpush v0, $0x9;
	s14 =	sld [smem:$0x7F5]  }
0x77: {  	[tilespmem:s31], [sflag:$0x1] =	stream.linear.gather [hbm4b:s11+s2], $0x400, $0x38;
	[tilespmem:$0x9180] =	vst v63  }
0x78: {  	s18 =	sadd.s32 s4, s12;
	s10 =	sand.u32 $0x1FFFFF80, s17;
	s19 =	spop (v2sf);
	(v2sf) =	vpush v0, $0xA  }
0x79: {  	[tilespmem:s15], [sflag:$0x1] =	stream.linear.gather [hbm4b:s18+s2], $0x400, $0x38;
	[tilespmem:$0x9180] =	vst v63  }
0x7a: {  	s10 =	sadd.s32 s4, s10;
	s11 =	sand.u32 $0x1FFFFF80, s19;
	s22 =	spop (v2sf);
	(v2sf) =	vpush v0, $0xB  }
0x7b: {  	[tilespmem:s16], [sflag:$0x1] =	stream.linear.gather [hbm4b:s10+s2], $0x400, $0x38;
	[tilespmem:$0x9180] =	vst v63  }
0x7c: {  	s11 =	sadd.s32 s4, s11;
	s23 =	spop (v2sf);
	(v2sf) =	vpush v0, $0xC;
	s10 =	sand.u32 $0x1FFFFF80, s22  }
0x7d: {  	[tilespmem:s20], [sflag:$0x1] =	stream.linear.gather [hbm4b:s11+s2], $0x400, $0x38;
	[tilespmem:$0x9180] =	vst v63  }
0x7e: {  	s26 =	spop (v2sf);
	(v2sf) =	vpush v0, $0xD;
	s10 =	sadd.s32 s4, s10;
	s11 =	sand.u32 $0x1FFFFF80, s23  }
0x7f: {  	[tilespmem:s21], [sflag:$0x1] =	stream.linear.gather [hbm4b:s10+s2], $0x400, $0x38;
	[tilespmem:$0x9180] =	vst v63  }
0x80: {  	s19 =	sld [smem:$0x7F8];
	s11 =	sadd.s32 s4, s11;
	s10 =	sand.u32 $0x1FFFFF80, s26  }
0x81: {  	[tilespmem:s24], [sflag:$0x1] =	stream.linear.gather [hbm4b:s11+s2], $0x400, $0x38;
	[tilespmem:$0x9180] =	vst v63  }
0x82: {  	s15 =	sld [smem:$0x7F6];
	s10 =	sadd.s32 s4, s10;
	s28 =	spop (v2sf);
	(v2sf) =	vpush v0, $0xE  }
0x83: {  	[tilespmem:s25], [sflag:$0x1] =	stream.linear.gather [hbm4b:s10+s2], $0x400, $0x38;
	[tilespmem:$0x9180] =	vst v63  }
0x84: {  	s18 =	sld [smem:$0x7F7];
	s11 =	sand.u32 $0x1FFFFF80, s28;
	s31 =	spop (v2sf);
	(v2sf) =	vpush v0, $0xF  }
0x85: {  	s11 =	sadd.s32 s4, s11;
	s10 =	sand.u32 $0x1FFFFF80, s31;
	s13 =	spop (v2sf)  }
0x86: {  	[tilespmem:s29], [sflag:$0x1] =	stream.linear.gather [hbm4b:s11+s2], $0x400, $0x38;
	[tilespmem:$0x9180] =	vst v63  }
0x87: {  	s10 =	sadd.s32 s4, s10;
	s11 =	sand.u32 $0x1FFFFF80, s13;
	s16 =	spop (v2sf)  }
0x88: {  	[tilespmem:s30], [sflag:$0x1] =	stream.linear.gather [hbm4b:s10+s2], $0x400, $0x38;
	[tilespmem:$0x9180] =	vst v63  }
0x89: {  	s11 =	sadd.s32 s4, s11;
	s17 =	spop (v2sf);
	s10 =	sand.u32 $0x1FFFFF80, s16  }
0x8a: {  	[tilespmem:s14], [sflag:$0x1] =	stream.linear.gather [hbm4b:s11+s2], $0x400, $0x38;
	[tilespmem:$0x9180] =	vst v63  }
0x8b: {  	s20 =	spop (v2sf);
	s10 =	sadd.s32 s4, s10;
	s11 =	sand.u32 $0x1FFFFF80, s17  }
0x8c: {  	[tilespmem:s15], [sflag:$0x1] =	stream.linear.gather [hbm4b:s10+s2], $0x400, $0x38;
	[tilespmem:$0x9180] =	vst v63  }
0x8d: {  	s21 =	spop (v2sf);
	s11 =	sadd.s32 s4, s11;
	s10 =	sand.u32 $0x1FFFFF80, s20  }
0x8e: {  	[tilespmem:s18], [sflag:$0x1] =	stream.linear.gather [hbm4b:s11+s2], $0x400, $0x38;
	[tilespmem:$0x9180] =	vst v63  }
0x8f: {  	s22 =	sld [smem:$0x7F9];
	s10 =	sadd.s32 s4, s10;
	s11 =	sand.u32 $0x1FFFFF80, s21  }
0x90: {  	[tilespmem:s19], [sflag:$0x1] =	stream.linear.gather [hbm4b:s10+s2], $0x400, $0x38;
	[tilespmem:$0x9180] =	vst v63  }
0x91: {  	s23 =	sld [smem:$0x7FA];
	s11 =	sadd.s32 s4, s11;
	s24 =	spop (v2sf)  }
0x92: {  	[tilespmem:s22], [sflag:$0x1] =	stream.linear.gather [hbm4b:s11+s2], $0x400, $0x38;
	[tilespmem:$0x9180] =	vst v63  }
0x93: {  	s10 =	sand.u32 $0x1FFFFF80, s24;
	s25 =	spop (v2sf)  }
0x94: {  	s26 =	sld [smem:$0x7FB];
	s10 =	sadd.s32 s4, s10;
	s11 =	sand.u32 $0x1FFFFF80, s25  }
0x95: {  	[tilespmem:s23], [sflag:$0x1] =	stream.linear.gather [hbm4b:s10+s2], $0x400, $0x38;
	[tilespmem:$0x9180] =	vst v63  }
0x96: {  	s8 =	simm.s32 $0x1;
	s28 =	sadd.s32 s4, s11  }
0x97: {  	[tilespmem:s26], [sflag:$0x1] =	stream.linear.gather [hbm4b:s28+s2], $0x400, $0x38;
	[tilespmem:$0x9180] =	vst v63  }
0x98: {  	_ =	swait.ge [sflag:s8], $0x1000  }
0x99: {  	[sflag:s8] =	ssyncset.done $0x0  }
0x9a: {  	[sflag:s8] =	ssyncadd.s32 $0xFFFFF000  }
0x9b: {  	_ =	swait.ge [sflag:s8], $0x400  }
0x9c: {  	[sflag:s8] =	ssyncset.done $0x0  }
0x9d: {  	[sflag:s8] =	ssyncadd.s32 $0xFFFFFC00  }
0x9e: {  	_ =	swait.ge [sflag:s8], $0x400  }
0x9f: {  	[sflag:s8] =	ssyncset.done $0x0  }
0xa0: {  	[sflag:s8] =	ssyncadd.s32 $0xFFFFFC00  }
0xa1: {  	_ =	swait.ge [sflag:s8], $0x400  }
0xa2: {  	[sflag:s8] =	ssyncset.done $0x0  }
0xa3: {  	[sflag:s8] =	ssyncadd.s32 $0xFFFFFC00  }
0xa4: {  	_ =	swait.ge [sflag:s8], $0x400  }
0xa5: {  	[sflag:s8] =	ssyncset.done $0x0  }
0xa6: {  	[sflag:s8] =	ssyncadd.s32 $0xFFFFFC00  }
0xa7: {  	_ =	swait.ge [sflag:s8], $0x400  }
0xa8: {  	[sflag:s8] =	ssyncset.done $0x0  }
0xa9: {  	[sflag:s8] =	ssyncadd.s32 $0xFFFFFC00  }
0xaa: {  	_ =	swait.ge [sflag:s8], $0x400  }
0xab: {  	[sflag:s8] =	ssyncset.done $0x0  }
0xac: {  	[sflag:s8] =	ssyncadd.s32 $0xFFFFFC00  }
0xad: {  	_ =	swait.ge [sflag:s8], $0x400  }
0xae: {  	[sflag:s8] =	ssyncset.done $0x0  }
0xaf: {  	[sflag:s8] =	ssyncadd.s32 $0xFFFFFC00  }
0xb0: {  	_ =	swait.ge [sflag:s8], $0x400  }
0xb1: {  	[sflag:s8] =	ssyncset.done $0x0  }
0xb2: {  	[sflag:s8] =	ssyncadd.s32 $0xFFFFFC00  }
0xb3: {  	_ =	swait.ge [sflag:s8], $0x400  }
0xb4: {  	[sflag:s8] =	ssyncset.done $0x0  }
0xb5: {  	[sflag:s8] =	ssyncadd.s32 $0xFFFFFC00  }
0xb6: {  	_ =	swait.ge [sflag:s8], $0x400  }
0xb7: {  	[sflag:s8] =	ssyncset.done $0x0  }
0xb8: {  	[sflag:s8] =	ssyncadd.s32 $0xFFFFFC00  }
0xb9: {  	_ =	swait.ge [sflag:s8], $0x400  }
0xba: {  	[sflag:s8] =	ssyncset.done $0x0  }
0xbb: {  	[sflag:s8] =	ssyncadd.s32 $0xFFFFFC00  }
0xbc: {  	_ =	swait.ge [sflag:s8], $0x400  }
0xbd: {  	[sflag:s8] =	ssyncset.done $0x0  }
0xbe: {  	[sflag:s8] =	ssyncadd.s32 $0xFFFFFC00  }
0xbf: {  	_ =	swait.ge [sflag:s8], $0x400  }
0xc0: {  	[sflag:s8] =	ssyncset.done $0x0  }
0xc1: {  	[sflag:s8] =	ssyncadd.s32 $0xFFFFFC00  }
0xc2: {  	_ =	swait.ge [sflag:s8], $0x400  }
0xc3: {  	[sflag:s8] =	ssyncset.done $0x0  }
0xc4: {  	[sflag:s8] =	ssyncadd.s32 $0xFFFFFC00  }
0xc5: {  	_ =	swait.ge [sflag:s8], $0x400  }
0xc6: {  	[sflag:s8] =	ssyncset.done $0x0  }
0xc7: {  	[sflag:s8] =	ssyncadd.s32 $0xFFFFFC00  }
0xc8: {  	_ =	swait.ge [sflag:s8], $0x400  }
0xc9: {  	[sflag:s8] =	ssyncset.done $0x0  }
0xca: {  	[sflag:s8] =	ssyncadd.s32 $0xFFFFFC00  }
0xcb: {  	_ =	swait.ge [sflag:s8], $0x400  }
0xcc: {  	[sflag:s8] =	ssyncset.done $0x0  }
0xcd: {  	[sflag:s8] =	ssyncadd.s32 $0xFFFFFC00  }
0xce: {  	_ =	swait.ge [sflag:s8], $0x400  }
0xcf: {  	[sflag:s8] =	ssyncset.done $0x0  }
0xd0: {  	[sflag:s8] =	ssyncadd.s32 $0xFFFFFC00  }
0xd1: {  	_ =	swait.ge [sflag:s8], $0x400  }
0xd2: {  	[sflag:s8] =	ssyncset.done $0x0  }
0xd3: {  	[sflag:s8] =	ssyncadd.s32 $0xFFFFFC00  }
0xd4: {  	_ =	swait.ge [sflag:s8], $0x400  }
0xd5: {  	[sflag:s8] =	ssyncset.done $0x0  }
0xd6: {  	[sflag:s8] =	ssyncadd.s32 $0xFFFFFC00  }
0xd7: {  	_ =	swait.ge [sflag:s8], $0x400  }
0xd8: {  	[sflag:s8] =	ssyncset.done $0x0  }
0xd9: {  	[sflag:s8] =	ssyncadd.s32 $0xFFFFFC00  }
0xda: {  	_ =	swait.ge [sflag:s8], $0x400  }
0xdb: {  	[sflag:s8] =	ssyncset.done $0x0  }
0xdc: {  	[sflag:s8] =	ssyncadd.s32 $0xFFFFFC00  }
0xdd: {  	_ =	swait.ge [sflag:s8], $0x400  }
0xde: {  	[sflag:s8] =	ssyncset.done $0x0  }
0xdf: {  	[sflag:s8] =	ssyncadd.s32 $0xFFFFFC00  }
0xe0: {  	_ =	swait.ge [sflag:s8], $0x400  }
0xe1: {  	[sflag:s8] =	ssyncset.done $0x0  }
0xe2: {  	[sflag:s8] =	ssyncadd.s32 $0xFFFFFC00  }
0xe3: {  	_ =	swait.ge [sflag:s8], $0x400  }
0xe4: {  	[sflag:s8] =	ssyncset.done $0x0  }
0xe5: {  	[sflag:s8] =	ssyncadd.s32 $0xFFFFFC00  }
0xe6: {  	_ =	swait.ge [sflag:s8], $0x400  }
0xe7: {  	[sflag:s8] =	ssyncset.done $0x0  }
0xe8: {  	[sflag:s8] =	ssyncadd.s32 $0xFFFFFC00  }
0xe9: {  	_ =	swait.ge [sflag:s8], $0x400  }
0xea: {  	[sflag:s8] =	ssyncset.done $0x0  }
0xeb: {  	[sflag:s8] =	ssyncadd.s32 $0xFFFFFC00  }
0xec: {  	_ =	swait.ge [sflag:s8], $0x400  }
0xed: {  	[sflag:s8] =	ssyncset.done $0x0  }
0xee: {  	[sflag:s8] =	ssyncadd.s32 $0xFFFFFC00  }
0xef: {  	_ =	swait.ge [sflag:s8], $0x400  }
0xf0: {  	[sflag:s8] =	ssyncset.done $0x0  }
0xf1: {  	vm0 =	vcmask $0x300;
	v0 =	vimm.s32 $0x3F80;
	[sflag:s8] =	ssyncadd.s32 $0xFFFFFC00  }
0xf2: {  	vm1 =	vcmask $0x704;
	v0 =	vsel vm0, $0x0, v0;
	_ =	swait.ge [sflag:s8], $0x400  }
0xf3: {  	vm2 =	vcmask $0xB08;
	v0 =	vsel vm1, $0x480, v0;
	[sflag:s8] =	ssyncset.done $0x0  }
0xf4: {  	vm3 =	vcmask $0xF0C;
	v0 =	vsel vm2, $0x900, v0;
	[sflag:s8] =	ssyncadd.s32 $0xFFFFFC00  }
0xf5: {  	vm4 =	vcmask $0x1310;
	v0 =	vsel vm3, $0xD80, v0;
	_ =	swait.ge [sflag:s8], $0x400  }
0xf6: {  	vm5 =	vcmask $0x1714;
	v0 =	vsel vm4, $0x1200, v0;
	[sflag:s8] =	ssyncset.done $0x0  }
0xf7: {  	vm6 =	vcmask $0x1B18;
	v0 =	vsel vm5, $0x1680, v0;
	[sflag:s8] =	ssyncadd.s32 $0xFFFFFC00  }
0xf8: {  	vm7 =	vcmask $0x1F1C;
	v0 =	vsel vm6, $0x1B00, v0;
	_ =	swait.ge [sflag:s8], $0x400  }
0xf9: {  	vm8 =	vcmask $0x2320;
	v0 =	vsel vm7, $0x1F80, v0;
	[sflag:s8] =	ssyncset.done $0x0  }
0xfa: {  	vm9 =	vcmask $0x2724;
	v0 =	vsel vm8, $0x2000, v0;
	[sflag:s8] =	ssyncadd.s32 $0xFFFFFC00  }
0xfb: {  	vm10 =	vcmask $0x2B28;
	v0 =	vsel vm9, $0x2480, v0;
	v1 =	vld [tilespmem:$0x0]  }
0xfc: {  	vm11 =	vcmask $0x2F2C;
	v0 =	vsel vm10, $0x2900, v0  }
0xfd: {  	vm12 =	vcmask $0x3330;
	v2 =	vimm.s32 $0x7F80;
	v0 =	vsel vm11, $0x2D80, v0  }
0xfe: {  	vm13 =	vcmask $0x3734;
	v2 =	vsel vm0, $0x4000, v2;
	v0 =	vsel vm12, $0x3200, v0  }
0xff: {  	vm15 =	vcmask $0x3B38;
	v2 =	vsel vm1, $0x4480, v2;
	v0 =	vsel vm13, $0x3680, v0  }
0x100: {  	v2 =	vsel vm2, $0x4900, v2;
	v0 =	vsel vm15, $0x3B00, v0;
	v1 =	vand.u32 $0x7F, v1  }
0x101: {  	v2 =	vsel vm3, $0x4D80, v2;
	v3 =	vor.u32 v0, v1  }
0x102: {  	v1 =	vsel vm4, $0x5200, v2  }
0x103: {  	v1 =	vsel vm5, $0x5680, v1  }
0x104: {  	v1 =	vsel vm6, $0x5B00, v1  }
0x105: {  	v2 =	vlaneseq.u32;
	v4 =	vsel vm7, $0x5F80, v1  }
0x106: {  	v1 =	vmul.u32 $0x80, v2;
	v2 =	vsel vm8, $0x6000, v4;
	v3 =	vld.idx.msk [tilespmem:v3+s7+$0x0], $0xffff  }
0x107: {  	v4 =	vld [tilespmem:$0x10];
	v2 =	vsel vm9, $0x6480, v2  }
0x108: {  	v2 =	vsel vm10, $0x6900, v2  }
0x109: {  	v2 =	vsel vm11, $0x6D80, v2  }
0x10a: {  	v2 =	vsel vm12, $0x7200, v2  }
0x10b: {  	v2 =	vsel vm13, $0x7680, v2;
	[tilespmem:$0x9080] =	vst v3  }
0x10c: {  	v2 =	vsel vm15, $0x7B00, v2;
	v3 =	vand.u32 $0x7F, v4;
	v4 =	vld.idx.msk [tilespmem:v1+s6+$0x0], $0xffff  }
0x10d: {  	v3 =	vor.u32 v2, v3;
	_ =	sdelay $0x3  }
0x10e: {  	[tilespmem:$0x9100] =	vst v4  }
0x10f: {  	v4 =	vld.idx.msk [tilespmem:v3+s7+$0x0], $0xffff  }
0x110: {  	v3 =	vor.u32 $0x800, v1;
	_ =	sdelay $0x3  }
0x111: {  	[tilespmem:$0x9090] =	vst v4  }
0x112: {  	s9 =	ssub.s32 $0x2, s9;
	v4 =	vld.idx.msk [tilespmem:v3+s6+$0x0], $0xffff  }
0x113: {  	s31 =	sshrl.u32 s9, $0x1  }
0x114: {  	s9 =	ssub.s32 s9, s31  }
0x115: {  	s9 =	smax.u32 s9, $0x1;
	s29 =	sld [smem:$0x7FC]  }
0x116: {  	p0 =	sne.s32 s9, $0x1  }
.Ltmp0:
0x117: {  	s30 =	rddreg [dreg:$0x7];
	[tilespmem:$0x9110] =	vst v4;
	(pc) =	sbr.rel @!p0 .LBB2_2-.Ltmp0, $4  }
0x118: {  	[hbm4b:s30+s2] =	stream.linear.scatter [tilespmem:s29], [sflag:$0x2], $0x20, $0x38;
	[tilespmem:$0x9180] =	vst v63  }
0x119: {  	_ =	swait.ge [sflag:s3], $0x20  }
0x11a: {  	s10 =	rddreg [dreg:$0x8];
	[sflag:s3] =	ssyncset.done $0x0  }
0x11b: {  	s9 =	sadd.s32 $0xFFFFFFFF, s9;
	s11 =	sld [smem:$0x7FD];
	[sflag:s3] =	ssyncadd.s32 $0xFFFFFFE0  }
.LBB2_1:
0x11c: {  	_ =	sdelay $0x1  }
0x11d: {  	[hbm4b:s10+s2] =	stream.linear.scatter [tilespmem:s11], [sflag:$0x2], $0x20, $0x38;
	[tilespmem:$0x9180] =	vst v63  }
0x11e: {  	_ =	swait.ge [sflag:s3], $0x20  }
0x11f: {  	[sflag:s3] =	ssyncset.done $0x0  }
0x120: {  	s14 =	rddreg [dreg:$0x3];
	[sflag:s3] =	ssyncadd.s32 $0xFFFFFFE0  }
0x121: {  	[tilespmem:s2], [sflag:$0x2] =	stream.linear.gather [hbm4b:s14+s2], $0x20, $0x38;
	[tilespmem:$0x9180] =	vst v63  }
0x122: {  	_ =	swait.ge [sflag:s3], $0x20  }
0x123: {  	s15 =	rddreg [dreg:$0x9];
	[sflag:s3] =	ssyncset.done $0x0  }
0x124: {  	s16 =	rddreg [dreg:$0xa];
	[sflag:s3] =	ssyncadd.s32 $0xFFFFFFE0  }
0x125: {  	[tilespmem:s6], [sflag:$0x1] =	stream.strided.gather [hbm4b:s5+s15], $0x1000, s16, s15, $0x38;
	[tilespmem:$0x9180] =	vst v63  }
0x126: {  	v4 =	vld [tilespmem:$0x0];
	_ =	sdelay $0x4  }
0x127: {  	v4 =	vand.u32 $0xFFFFFF80, v4  }
0x128: {  	v5 =	vadd.s32 s5, v4  }
0x129: {  	(v2sf) =	vpush v5, $0x2  }
0x12a: {  	(v2sf) =	vpush v5, $0x0;
	_ =	sdelay $0x1  }
0x12b: {  	s17 =	rddreg [dreg:$0x4];
	(v2sf) =	vpush v5, $0x1  }
0x12c: {  	v4 =	vadd.s32 s17, v4  }
0x12d: {  	(v2sf) =	vpush v4, $0x8;
	_ =	sdelay $0x1  }
0x12e: {  	(v2sf) =	vpush v5, $0x3;
	_ =	sdelay $0x1  }
0x12f: {  	(v2sf) =	vpush v5, $0x4;
	_ =	sdelay $0x1  }
0x130: {  	(v2sf) =	vpush v5, $0x5;
	_ =	sdelay $0x1  }
0x131: {  	s11 =	rddreg [dreg:$0x17];
	(v2sf) =	vpush v5, $0x6  }
0x132: {  	s12 =	rddreg [dreg:$0x16]  }
0x133: {  	s13 =	rddreg [dreg:$0x15];
	s14 =	spop (v2sf);
	(v2sf) =	vpush v5, $0x7  }
0x134: {  	s18 =	rddreg [dreg:$0xc];
	s16 =	spop (v2sf)  }
0x135: {  	(v2sf) =	vpush v4, $0x9;
	[tilespmem:s7], [sflag:$0x1] =	stream.linear.gather [hbm4b:s16+s2], $0x400, $0x38;
	[tilespmem:$0x9180] =	vst v63  }
0x136: {  	s15 =	rddreg [dreg:$0xb];
	s17 =	spop (v2sf);
	(v2sf) =	vpush v4, $0xA  }
0x137: {  	[tilespmem:s15], [sflag:$0x1] =	stream.linear.gather [hbm4b:s17+s2], $0x400, $0x38;
	[tilespmem:$0x9180] =	vst v63  }
0x138: {  	s19 =	rddreg [dreg:$0xd];
	s20 =	spop (v2sf);
	(v2sf) =	vpush v4, $0xB  }
0x139: {  	[tilespmem:s18], [sflag:$0x1] =	stream.linear.gather [hbm4b:s14+s2], $0x400, $0x38;
	[tilespmem:$0x9180] =	vst v63  }
0x13a: {  	s21 =	rddreg [dreg:$0xe];
	s23 =	spop (v2sf);
	(v2sf) =	vpush v4, $0xC  }
0x13b: {  	[tilespmem:s19], [sflag:$0x1] =	stream.linear.gather [hbm4b:s23+s2], $0x400, $0x38;
	[tilespmem:$0x9180] =	vst v63  }
0x13c: {  	s24 =	rddreg [dreg:$0xf];
	s25 =	spop (v2sf);
	(v2sf) =	vpush v4, $0xD  }
0x13d: {  	[tilespmem:s21], [sflag:$0x1] =	stream.linear.gather [hbm4b:s25+s2], $0x400, $0x38;
	[tilespmem:$0x9180] =	vst v63  }
0x13e: {  	s26 =	rddreg [dreg:$0x10];
	s28 =	spop (v2sf);
	(v2sf) =	vpush v4, $0xE  }
0x13f: {  	[tilespmem:s24], [sflag:$0x1] =	stream.linear.gather [hbm4b:s28+s2], $0x400, $0x38;
	[tilespmem:$0x9180] =	vst v63  }
0x140: {  	s29 =	rddreg [dreg:$0x11];
	s30 =	spop (v2sf);
	(v2sf) =	vpush v4, $0xF  }
0x141: {  	[tilespmem:s26], [sflag:$0x1] =	stream.linear.gather [hbm4b:s30+s2], $0x400, $0x38;
	[tilespmem:$0x9180] =	vst v63  }
0x142: {  	s31 =	rddreg [dreg:$0x12];
	s22 =	sand.u32 $0x1FFFFF80, s20;
	s18 =	spop (v2sf)  }
0x143: {  	[tilespmem:s29], [sflag:$0x1] =	stream.linear.gather [hbm4b:s18+s2], $0x400, $0x38;
	[tilespmem:$0x9180] =	vst v63  }
0x144: {  	s20 =	rddreg [dreg:$0x13];
	s19 =	sadd.s32 s4, s22;
	s21 =	spop (v2sf)  }
0x145: {  	s23 =	rddreg [dreg:$0x14];
	s22 =	sand.u32 $0x1FFFFF80, s21;
	s24 =	spop (v2sf)  }
0x146: {  	[tilespmem:s31], [sflag:$0x1] =	stream.linear.gather [hbm4b:s19+s2], $0x400, $0x38;
	[tilespmem:$0x9180] =	vst v63  }
0x147: {  	s14 =	sadd.s32 s4, s22;
	s17 =	sand.u32 $0x1FFFFF80, s24;
	s18 =	spop (v2sf)  }
0x148: {  	[tilespmem:s20], [sflag:$0x1] =	stream.linear.gather [hbm4b:s14+s2], $0x400, $0x38;
	[tilespmem:$0x9180] =	vst v63  }
0x149: {  	s25 =	sadd.s32 s4, s17;
	s26 =	sand.u32 $0x1FFFFF80, s18;
	s28 =	spop (v2sf)  }
0x14a: {  	[tilespmem:s23], [sflag:$0x1] =	stream.linear.gather [hbm4b:s25+s2], $0x400, $0x38;
	[tilespmem:$0x9180] =	vst v63  }
0x14b: {  	s29 =	sadd.s32 s4, s26;
	s30 =	sand.u32 $0x1FFFFF80, s28;
	s31 =	spop (v2sf)  }
0x14c: {  	[tilespmem:s13], [sflag:$0x1] =	stream.linear.gather [hbm4b:s29+s2], $0x400, $0x38;
	[tilespmem:$0x9180] =	vst v63  }
0x14d: {  	s15 =	sadd.s32 s4, s30;
	s17 =	sand.u32 $0x1FFFFF80, s31;
	s18 =	spop (v2sf)  }
0x14e: {  	[tilespmem:s12], [sflag:$0x1] =	stream.linear.gather [hbm4b:s15+s2], $0x400, $0x38;
	[tilespmem:$0x9180] =	vst v63  }
0x14f: {  	s19 =	sadd.s32 s4, s17;
	s20 =	sand.u32 $0x1FFFFF80, s18;
	s21 =	spop (v2sf)  }
0x150: {  	[tilespmem:s11], [sflag:$0x1] =	stream.linear.gather [hbm4b:s19+s2], $0x400, $0x38;
	[tilespmem:$0x9180] =	vst v63  }
0x151: {  	s10 =	rddreg [dreg:$0x18];
	s22 =	sadd.s32 s4, s20;
	s23 =	sand.u32 $0x1FFFFF80, s21  }
0x152: {  	[tilespmem:s10], [sflag:$0x1] =	stream.linear.gather [hbm4b:s22+s2], $0x400, $0x38;
	[tilespmem:$0x9180] =	vst v63  }
0x153: {  	s24 =	rddreg [dreg:$0x19];
	s25 =	sadd.s32 s4, s23  }
0x154: {  	[tilespmem:s24], [sflag:$0x1] =	stream.linear.gather [hbm4b:s25+s2], $0x400, $0x38;
	[tilespmem:$0x9180] =	vst v63  }
0x155: {  	v4 =	vld [tilespmem:$0x10];
	_ =	sdelay $0x4  }
0x156: {  	s28 =	rddreg [dreg:$0x5];
	v4 =	vand.u32 $0xFFFFFF80, v4  }
0x157: {  	v5 =	vadd.s32 s28, v4  }
0x158: {  	(v2sf) =	vpush v5, $0x0  }
0x159: {  	s16 =	sld [smem:$0x7F4];
	(v2sf) =	vpush v5, $0x1  }
0x15a: {  	s26 =	rddreg [dreg:$0x6];
	(v2sf) =	vpush v5, $0x2  }
0x15b: {  	s14 =	sld [smem:$0x7F6]  }
0x15c: {  	s17 =	sld [smem:$0x7F3];
	(v2sf) =	vpush v5, $0x3  }
0x15d: {  	s18 =	sld [smem:$0x7F2]  }
0x15e: {  	s20 =	rddreg [dreg:$0x1e];
	(v2sf) =	vpush v5, $0x4  }
0x15f: {  	s21 =	rddreg [dreg:$0x1d]  }
0x160: {  	s13 =	sld [smem:$0x7F7];
	(v2sf) =	vpush v5, $0x5  }
0x161: {  	s23 =	rddreg [dreg:$0x1a]  }
0x162: {  	s12 =	sld [smem:$0x7F8];
	(v2sf) =	vpush v5, $0x6  }
0x163: {  	s15 =	sld [smem:$0x7F5]  }
0x164: {  	s11 =	sld [smem:$0x7F9];
	(v2sf) =	vpush v5, $0x7  }
0x165: {  	s19 =	rddreg [dreg:$0x1f];
	v4 =	vadd.s32 s26, v4  }
0x166: {  	s10 =	sld [smem:$0x7FA];
	(v2sf) =	vpush v4, $0x8  }
0x167: {  	s22 =	rddreg [dreg:$0x1c];
	s24 =	spop (v2sf)  }
0x168: {  	s25 =	rddreg [dreg:$0x1b];
	s24 =	sand.u32 $0x1FFFFF80, s24;
	s26 =	spop (v2sf);
	(v2sf) =	vpush v4, $0x9  }
0x169: {  	s24 =	sadd.s32 s4, s24;
	s26 =	sand.u32 $0x1FFFFF80, s26;
	s28 =	spop (v2sf)  }
0x16a: {  	(v2sf) =	vpush v4, $0xA;
	[tilespmem:s23], [sflag:$0x1] =	stream.linear.gather [hbm4b:s24+s2], $0x400, $0x38;
	[tilespmem:$0x9180] =	vst v63  }
0x16b: {  	s29 =	sadd.s32 s4, s26;
	s30 =	sand.u32 $0x1FFFFF80, s28;
	s31 =	spop (v2sf)  }
0x16c: {  	(v2sf) =	vpush v4, $0xB;
	[tilespmem:s25], [sflag:$0x1] =	stream.linear.gather [hbm4b:s29+s2], $0x400, $0x38;
	[tilespmem:$0x9180] =	vst v63  }
0x16d: {  	s26 =	sand.u32 $0x1FFFFF80, s31;
	s28 =	spop (v2sf);
	s25 =	sadd.s32 s4, s30  }
0x16e: {  	(v2sf) =	vpush v4, $0xC;
	[tilespmem:s22], [sflag:$0x1] =	stream.linear.gather [hbm4b:s25+s2], $0x400, $0x38;
	[tilespmem:$0x9180] =	vst v63  }
0x16f: {  	s29 =	sadd.s32 s4, s26;
	s30 =	sand.u32 $0x1FFFFF80, s28;
	s31 =	spop (v2sf)  }
0x170: {  	(v2sf) =	vpush v4, $0xD;
	[tilespmem:s21], [sflag:$0x1] =	stream.linear.gather [hbm4b:s29+s2], $0x400, $0x38;
	[tilespmem:$0x9180] =	vst v63  }
0x171: {  	s23 =	sand.u32 $0x1FFFFF80, s31;
	s24 =	spop (v2sf);
	s22 =	sadd.s32 s4, s30  }
0x172: {  	(v2sf) =	vpush v4, $0xE;
	[tilespmem:s20], [sflag:$0x1] =	stream.linear.gather [hbm4b:s22+s2], $0x400, $0x38;
	[tilespmem:$0x9180] =	vst v63  }
0x173: {  	s25 =	sadd.s32 s4, s23;
	s26 =	sand.u32 $0x1FFFFF80, s24;
	s28 =	spop (v2sf)  }
0x174: {  	(v2sf) =	vpush v4, $0xF;
	[tilespmem:s19], [sflag:$0x1] =	stream.linear.gather [hbm4b:s25+s2], $0x400, $0x38;
	[tilespmem:$0x9180] =	vst v63  }
0x175: {  	s30 =	sand.u32 $0x1FFFFF80, s28;
	s31 =	spop (v2sf);
	s29 =	sadd.s32 s4, s26  }
0x176: {  	[tilespmem:s18], [sflag:$0x1] =	stream.linear.gather [hbm4b:s29+s2], $0x400, $0x38;
	[tilespmem:$0x9180] =	vst v63  }
0x177: {  	s20 =	sand.u32 $0x1FFFFF80, s31;
	s19 =	sadd.s32 s4, s30;
	s21 =	spop (v2sf)  }
0x178: {  	[tilespmem:s17], [sflag:$0x1] =	stream.linear.gather [hbm4b:s19+s2], $0x400, $0x38;
	[tilespmem:$0x9180] =	vst v63  }
0x179: {  	s22 =	sadd.s32 s4, s20;
	s23 =	sand.u32 $0x1FFFFF80, s21;
	s24 =	spop (v2sf)  }
0x17a: {  	[tilespmem:s16], [sflag:$0x1] =	stream.linear.gather [hbm4b:s22+s2], $0x400, $0x38;
	[tilespmem:$0x9180] =	vst v63  }
0x17b: {  	s25 =	sadd.s32 s4, s23;
	s26 =	sand.u32 $0x1FFFFF80, s24;
	s28 =	spop (v2sf)  }
0x17c: {  	[tilespmem:s15], [sflag:$0x1] =	stream.linear.gather [hbm4b:s25+s2], $0x400, $0x38;
	[tilespmem:$0x9180] =	vst v63  }
0x17d: {  	s29 =	sadd.s32 s4, s26;
	s30 =	sand.u32 $0x1FFFFF80, s28;
	s31 =	spop (v2sf)  }
0x17e: {  	[tilespmem:s14], [sflag:$0x1] =	stream.linear.gather [hbm4b:s29+s2], $0x400, $0x38;
	[tilespmem:$0x9180] =	vst v63  }
0x17f: {  	s16 =	sadd.s32 s4, s30;
	s17 =	sand.u32 $0x1FFFFF80, s31;
	s18 =	spop (v2sf)  }
0x180: {  	[tilespmem:s13], [sflag:$0x1] =	stream.linear.gather [hbm4b:s16+s2], $0x400, $0x38;
	[tilespmem:$0x9180] =	vst v63  }
0x181: {  	s19 =	sadd.s32 s4, s17;
	s20 =	sand.u32 $0x1FFFFF80, s18;
	s21 =	spop (v2sf)  }
0x182: {  	[tilespmem:s12], [sflag:$0x1] =	stream.linear.gather [hbm4b:s19+s2], $0x400, $0x38;
	[tilespmem:$0x9180] =	vst v63  }
0x183: {  	s22 =	sadd.s32 s4, s20;
	s23 =	sand.u32 $0x1FFFFF80, s21;
	s24 =	spop (v2sf)  }
0x184: {  	[tilespmem:s11], [sflag:$0x1] =	stream.linear.gather [hbm4b:s22+s2], $0x400, $0x38;
	[tilespmem:$0x9180] =	vst v63  }
0x185: {  	s28 =	sld [smem:$0x7FB];
	s25 =	sadd.s32 s4, s23;
	s26 =	sand.u32 $0x1FFFFF80, s24  }
0x186: {  	[tilespmem:s10], [sflag:$0x1] =	stream.linear.gather [hbm4b:s25+s2], $0x400, $0x38;
	[tilespmem:$0x9180] =	vst v63  }
0x187: {  	s29 =	sadd.s32 s4, s26  }
0x188: {  	[tilespmem:s28], [sflag:$0x1] =	stream.linear.gather [hbm4b:s29+s2], $0x400, $0x38;
	[tilespmem:$0x9180] =	vst v63  }
0x189: {  	_ =	swait.ge [sflag:s8], $0x1000  }
0x18a: {  	[sflag:s8] =	ssyncset.done $0x0  }
0x18b: {  	[sflag:s8] =	ssyncadd.s32 $0xFFFFF000  }
0x18c: {  	_ =	swait.ge [sflag:s8], $0x400  }
0x18d: {  	[sflag:s8] =	ssyncset.done $0x0  }
0x18e: {  	[sflag:s8] =	ssyncadd.s32 $0xFFFFFC00  }
0x18f: {  	_ =	swait.ge [sflag:s8], $0x400  }
0x190: {  	[sflag:s8] =	ssyncset.done $0x0  }
0x191: {  	[sflag:s8] =	ssyncadd.s32 $0xFFFFFC00  }
0x192: {  	_ =	swait.ge [sflag:s8], $0x400  }
0x193: {  	[sflag:s8] =	ssyncset.done $0x0  }
0x194: {  	[sflag:s8] =	ssyncadd.s32 $0xFFFFFC00  }
0x195: {  	_ =	swait.ge [sflag:s8], $0x400  }
0x196: {  	[sflag:s8] =	ssyncset.done $0x0  }
0x197: {  	[sflag:s8] =	ssyncadd.s32 $0xFFFFFC00  }
0x198: {  	_ =	swait.ge [sflag:s8], $0x400  }
0x199: {  	[sflag:s8] =	ssyncset.done $0x0  }
0x19a: {  	[sflag:s8] =	ssyncadd.s32 $0xFFFFFC00  }
0x19b: {  	_ =	swait.ge [sflag:s8], $0x400  }
0x19c: {  	[sflag:s8] =	ssyncset.done $0x0  }
0x19d: {  	[sflag:s8] =	ssyncadd.s32 $0xFFFFFC00  }
0x19e: {  	_ =	swait.ge [sflag:s8], $0x400  }
0x19f: {  	[sflag:s8] =	ssyncset.done $0x0  }
0x1a0: {  	[sflag:s8] =	ssyncadd.s32 $0xFFFFFC00  }
0x1a1: {  	_ =	swait.ge [sflag:s8], $0x400  }
0x1a2: {  	[sflag:s8] =	ssyncset.done $0x0  }
0x1a3: {  	[sflag:s8] =	ssyncadd.s32 $0xFFFFFC00  }
0x1a4: {  	_ =	swait.ge [sflag:s8], $0x400  }
0x1a5: {  	[sflag:s8] =	ssyncset.done $0x0  }
0x1a6: {  	[sflag:s8] =	ssyncadd.s32 $0xFFFFFC00  }
0x1a7: {  	_ =	swait.ge [sflag:s8], $0x400  }
0x1a8: {  	[sflag:s8] =	ssyncset.done $0x0  }
0x1a9: {  	[sflag:s8] =	ssyncadd.s32 $0xFFFFFC00  }
0x1aa: {  	_ =	swait.ge [sflag:s8], $0x400  }
0x1ab: {  	[sflag:s8] =	ssyncset.done $0x0  }
0x1ac: {  	[sflag:s8] =	ssyncadd.s32 $0xFFFFFC00  }
0x1ad: {  	_ =	swait.ge [sflag:s8], $0x400  }
0x1ae: {  	[sflag:s8] =	ssyncset.done $0x0  }
0x1af: {  	[sflag:s8] =	ssyncadd.s32 $0xFFFFFC00  }
0x1b0: {  	_ =	swait.ge [sflag:s8], $0x400  }
0x1b1: {  	[sflag:s8] =	ssyncset.done $0x0  }
0x1b2: {  	[sflag:s8] =	ssyncadd.s32 $0xFFFFFC00  }
0x1b3: {  	_ =	swait.ge [sflag:s8], $0x400  }
0x1b4: {  	[sflag:s8] =	ssyncset.done $0x0  }
0x1b5: {  	[sflag:s8] =	ssyncadd.s32 $0xFFFFFC00  }
0x1b6: {  	_ =	swait.ge [sflag:s8], $0x400  }
0x1b7: {  	[sflag:s8] =	ssyncset.done $0x0  }
0x1b8: {  	[sflag:s8] =	ssyncadd.s32 $0xFFFFFC00  }
0x1b9: {  	_ =	swait.ge [sflag:s8], $0x400  }
0x1ba: {  	[sflag:s8] =	ssyncset.done $0x0  }
0x1bb: {  	[sflag:s8] =	ssyncadd.s32 $0xFFFFFC00  }
0x1bc: {  	_ =	swait.ge [sflag:s8], $0x400  }
0x1bd: {  	[sflag:s8] =	ssyncset.done $0x0  }
0x1be: {  	[sflag:s8] =	ssyncadd.s32 $0xFFFFFC00  }
0x1bf: {  	_ =	swait.ge [sflag:s8], $0x400  }
0x1c0: {  	[sflag:s8] =	ssyncset.done $0x0  }
0x1c1: {  	[sflag:s8] =	ssyncadd.s32 $0xFFFFFC00  }
0x1c2: {  	_ =	swait.ge [sflag:s8], $0x400  }
0x1c3: {  	[sflag:s8] =	ssyncset.done $0x0  }
0x1c4: {  	[sflag:s8] =	ssyncadd.s32 $0xFFFFFC00  }
0x1c5: {  	_ =	swait.ge [sflag:s8], $0x400  }
0x1c6: {  	[sflag:s8] =	ssyncset.done $0x0  }
0x1c7: {  	[sflag:s8] =	ssyncadd.s32 $0xFFFFFC00  }
0x1c8: {  	_ =	swait.ge [sflag:s8], $0x400  }
0x1c9: {  	[sflag:s8] =	ssyncset.done $0x0  }
0x1ca: {  	[sflag:s8] =	ssyncadd.s32 $0xFFFFFC00  }
0x1cb: {  	_ =	swait.ge [sflag:s8], $0x400  }
0x1cc: {  	[sflag:s8] =	ssyncset.done $0x0  }
0x1cd: {  	[sflag:s8] =	ssyncadd.s32 $0xFFFFFC00  }
0x1ce: {  	_ =	swait.ge [sflag:s8], $0x400  }
0x1cf: {  	[sflag:s8] =	ssyncset.done $0x0  }
0x1d0: {  	[sflag:s8] =	ssyncadd.s32 $0xFFFFFC00  }
0x1d1: {  	_ =	swait.ge [sflag:s8], $0x400  }
0x1d2: {  	[sflag:s8] =	ssyncset.done $0x0  }
0x1d3: {  	[sflag:s8] =	ssyncadd.s32 $0xFFFFFC00  }
0x1d4: {  	_ =	swait.ge [sflag:s8], $0x400  }
0x1d5: {  	[sflag:s8] =	ssyncset.done $0x0  }
0x1d6: {  	[sflag:s8] =	ssyncadd.s32 $0xFFFFFC00  }
0x1d7: {  	_ =	swait.ge [sflag:s8], $0x400  }
0x1d8: {  	[sflag:s8] =	ssyncset.done $0x0  }
0x1d9: {  	[sflag:s8] =	ssyncadd.s32 $0xFFFFFC00  }
0x1da: {  	_ =	swait.ge [sflag:s8], $0x400  }
0x1db: {  	[sflag:s8] =	ssyncset.done $0x0  }
0x1dc: {  	[sflag:s8] =	ssyncadd.s32 $0xFFFFFC00  }
0x1dd: {  	_ =	swait.ge [sflag:s8], $0x400  }
0x1de: {  	[sflag:s8] =	ssyncset.done $0x0  }
0x1df: {  	[sflag:s8] =	ssyncadd.s32 $0xFFFFFC00  }
0x1e0: {  	_ =	swait.ge [sflag:s8], $0x400  }
0x1e1: {  	[sflag:s8] =	ssyncset.done $0x0  }
0x1e2: {  	[sflag:s8] =	ssyncadd.s32 $0xFFFFFC00  }
0x1e3: {  	_ =	swait.ge [sflag:s8], $0x400  }
0x1e4: {  	[sflag:s8] =	ssyncset.done $0x0  }
0x1e5: {  	[sflag:s8] =	ssyncadd.s32 $0xFFFFFC00  }
0x1e6: {  	_ =	swait.ge [sflag:s8], $0x400  }
0x1e7: {  	[sflag:s8] =	ssyncset.done $0x0  }
0x1e8: {  	[sflag:s8] =	ssyncadd.s32 $0xFFFFFC00  }
0x1e9: {  	_ =	swait.ge [sflag:s8], $0x400  }
0x1ea: {  	[sflag:s8] =	ssyncset.done $0x0  }
0x1eb: {  	[sflag:s8] =	ssyncadd.s32 $0xFFFFFC00  }
0x1ec: {  	v4 =	vld [tilespmem:$0x0];
	_ =	sdelay $0x4  }
0x1ed: {  	v4 =	vand.u32 $0x7F, v4  }
0x1ee: {  	v4 =	vor.u32 v0, v4;
	_ =	sdelay $0x4  }
0x1ef: {  	v4 =	vld.idx.msk [tilespmem:v4+s7+$0x0], $0xffff  }
0x1f0: {  	v5 =	vld [tilespmem:$0x10];
	_ =	sdelay $0x3  }
0x1f1: {  	[tilespmem:$0x9080] =	vst v4  }
0x1f2: {  	v5 =	vand.u32 $0x7F, v5;
	v4 =	vld.idx.msk [tilespmem:v1+s6+$0x0], $0xffff  }
0x1f3: {  	v5 =	vor.u32 v2, v5;
	_ =	sdelay $0x3  }
0x1f4: {  	[tilespmem:$0x9100] =	vst v4  }
0x1f5: {  	v4 =	vld.idx.msk [tilespmem:v5+s7+$0x0], $0xffff;
	_ =	sdelay $0x4  }
0x1f6: {  	[tilespmem:$0x9090] =	vst v4  }
0x1f7: {  	v4 =	vld.idx.msk [tilespmem:v3+s6+$0x0], $0xffff;
	_ =	sdelay $0x2  }
0x1f8: {  	s30 =	sld [smem:$0x7FC]  }
0x1f9: {  	p0 =	sne.s32 s9, $0x1  }
.Ltmp1:
0x1fa: {  	s31 =	rddreg [dreg:$0x7];
	[tilespmem:$0x9110] =	vst v4;
	(pc) =	sbr.rel @p0 .LBB2_1-.Ltmp1, $4  }
0x1fb: {  	[hbm4b:s31+s2] =	stream.linear.scatter [tilespmem:s30], [sflag:$0x2], $0x20, $0x38;
	[tilespmem:$0x9180] =	vst v63  }
0x1fc: {  	_ =	swait.ge [sflag:s3], $0x20  }
0x1fd: {  	s10 =	rddreg [dreg:$0x8];
	[sflag:s3] =	ssyncset.done $0x0  }
0x1fe: {  	s9 =	sadd.s32 $0xFFFFFFFF, s9;
	s11 =	sld [smem:$0x7FD];
	[sflag:s3] =	ssyncadd.s32 $0xFFFFFFE0  }
.LBB2_2:
0x1ff: {  	_ =	sdelay $0x1  }
0x200: {  	[hbm4b:s10+s2] =	stream.linear.scatter [tilespmem:s11], [sflag:$0x2], $0x20, $0x38;
	[tilespmem:$0x9180] =	vst v63  }
0x201: {  	_ =	swait.ge [sflag:s3], $0x20  }
0x202: {  	[sflag:s3] =	ssyncset.done $0x0  }
0x203: {  	[sflag:s3] =	ssyncadd.s32 $0xFFFFFFE0  }
0x204: {  	_ =	sfence.sel $0x180000  }
0x205: {  	[bflag:$0x0] =	sbarrier.arrive $0xFFFF  }
0x206: {  	p0 =	sne.s32 s0, $0x0;
	_ =	strace $0x90000047  }
0x207: {  	s0 =	sadd.s32 @!p0 $0x100000, s1;
	[bflag:$0x2] =	sbarrier.arrive $0xFFFF  }
0x208: {  	[sflag:s0] =	ssyncadd.tile.s32 @!p0 $0x1;
	_ =	shalt  }
.Lfunc_end2:
_tile_overlayer_lowered:
.L_overlay_start_2:
0x209: {  	(tag) =	ssettag $0x2  }
0x20a: {  	s0 =	rddreg [dreg:$0x0];
	s2 =	stileid.u32  }
0x20b: {  	s1 =	rddreg [dreg:$0x1];
	p0 =	sne.s32 s2, $0x0  }
0x20c: {  	s3 =	rddreg [dreg:$0x2];
	[bflag:$0x3] =	sbarrier.arrive $0xFFFF;
	s2 =	simm.s32 @!p0 $0x1C02  }
0x20d: {  	[timem:s3], [sflag:s2] =	dma.local @!p0 [hbm:s0], s1  }
0x20e: {  	s0 =	simm.s32 @!p0 $0x2  }
0x20f: {  	_ =	swait.ge @!p0 [sflag:s0], s1  }
0x210: {  	s1 =	ssub.s32 @!p0 $0x0, s1;
	[sflag:s0] =	ssyncset.done @!p0 $0x0  }
0x211: {  	[sflag:s0] =	ssyncadd.s32 @!p0 s1  }
0x212: {  	[bflag:$0x3] =	sbarrier.arrive $0xFFFF  }
0x213: {  	_ =	shalt  }

</sc_bundles>
